<compile_context>
chip_gen: v7x
topology: tpu7x:2x2x1
jax: 0.10.2.dev20260603
libtpu: 0.0.44.dev20260713+nightly
codegen_flags: <defaults>
</compile_context>

<pallas_src>
import functools

import jax
import jax.numpy as jnp
from jax import lax
from jax.experimental import pallas as pl
from jax.experimental.pallas import tpu as pltpu
from jax.experimental.pallas import tpu_sc as plsc

NC = 2
NS = 16
L = 16
NW = NC * NS


def _glove_body(E, PW, NG,
                cidx_h, oidx_h, co_h, wt_h, wc_h, wo_h, bc_h, bo_h,
                out_h, *refs):
    ctb = refs[0:1]
    otb = refs[1:2]
    (cix_v, oix_v, bcv, bov, cov, wtv, accv, sem, bsem) = refs[2:]

    wid = lax.axis_index("s") * NC + lax.axis_index("c")
    base = wid * PW

    pltpu.sync_copy(cidx_h.at[pl.ds(base, PW)], cix_v)
    pltpu.sync_copy(oidx_h.at[pl.ds(base, PW)], oix_v)

    bias_copies = []
    for k in range(PW // 128):
        bias_copies.append(pltpu.async_copy(
            bc_h.at[cix_v.at[pl.ds(k * 128, 128)]],
            bcv.at[pl.ds(k * 128, 128)], bsem))
        bias_copies.append(pltpu.async_copy(
            bo_h.at[oix_v.at[pl.ds(k * 128, 128)]],
            bov.at[pl.ds(k * 128, 128)], bsem))
    pltpu.sync_copy(co_h.at[pl.ds(base, PW)], cov)
    pltpu.sync_copy(wt_h.at[pl.ds(base, PW)], wtv)

    def group(g, acc):
        cvv = cix_v[pl.ds(g * L, L)]
        ovv = oix_v[pl.ds(g * L, L)]
        copies = []
        for l in range(L):
            tc = cvv[l]
            to = ovv[l]
            copies.append(pltpu.async_copy(
                wc_h.at[pl.ds(tc, 1)], ctb[0].at[pl.ds(l, 1)], sem))
            copies.append(pltpu.async_copy(
                wo_h.at[pl.ds(to, 1)], otb[0].at[pl.ds(l, 1)], sem))
        bcg = bcv[pl.ds(g * L, L)]
        bog = bov[pl.ds(g * L, L)]
        cog = cov[pl.ds(g * L, L)]
        wtg = wtv[pl.ds(g * L, L)]
        errv = bcg + bog - cog
        for c in copies:
            c.wait()
        for l in range(L):
            c0 = ctb[0][l, pl.ds(0, L)]
            c1 = ctb[0][l, pl.ds(L, L)]
            o0 = otb[0][l, pl.ds(0, L)]
            o1 = otb[0][l, pl.ds(L, L)]
            dot = jnp.sum(c0 * o0 + c1 * o1)
            err = dot + errv[l]
            acc = acc + wtg[l] * err * err
        return acc

    acc = lax.fori_loop(0, NG, group, jnp.float32(0))
    for bcp in bias_copies:
        bcp.wait()
    accv[...] = jnp.zeros((L,), jnp.float32) + acc
    pltpu.sync_copy(accv, out_h.at[pl.ds(wid * L, L)])


def kernel(center, outside, coocs, weighting, W_center, W_outside,
           b_center, b_outside):
    B = center.shape[0]
    V, E = W_center.shape
    PW = B // NW
    NG = PW // L

    cflat = center.reshape(-1).astype(jnp.int32)
    oflat = outside.reshape(-1).astype(jnp.int32)
    co1 = coocs.reshape(-1)
    wt1 = weighting.reshape(-1)

    mesh = plsc.VectorSubcoreMesh(core_axis_name="c", subcore_axis_name="s",
                                  num_cores=NC, num_subcores=NS)
    body = functools.partial(_glove_body, E, PW, NG)
    tile_bufs = [pltpu.VMEM((L, E), jnp.float32) for _ in range(2)]
    partials = pl.kernel(
        body,
        out_type=jax.ShapeDtypeStruct((NW * L,), jnp.float32),
        mesh=mesh,
        compiler_params=pltpu.CompilerParams(
            needs_layout_passes=False, use_tc_tiling_on_sc=True),
        scratch_types=tile_bufs + [
            pltpu.VMEM((PW,), jnp.int32),
            pltpu.VMEM((PW,), jnp.int32),
            pltpu.VMEM((PW,), jnp.float32),
            pltpu.VMEM((PW,), jnp.float32),
            pltpu.VMEM((PW,), jnp.float32),
            pltpu.VMEM((PW,), jnp.float32),
            pltpu.VMEM((L,), jnp.float32),
            pltpu.SemaphoreType.DMA,
            pltpu.SemaphoreType.DMA,
        ],
    )(cflat, oflat, co1, wt1, W_center, W_outside,
      b_center.reshape(-1), b_outside.reshape(-1))
    return jnp.sum(partials.reshape(NW, L)[:, 0])

# --- scband reference (transcript-rebuilt; emitter-appended) ---
"""Pipeline reference for scband-glove-26465588478277 (READ-ONLY COPY).

The authoritative reference and input builder live on the scoring server;
editing this copy changes nothing except your own understanding.
"""

import jax, jax.numpy as jnp
import numpy as np

V = 1000000
E = 32
B = 16384

def setup_inputs(seed: int = 0) -> dict:
    key = jax.random.key(seed)
    ks = jax.random.split(key, 8)
    center = jax.random.randint(ks[0], (B, 1), 0, V, dtype=jnp.int64) if jax.config.jax_enable_x64 else jax.random.randint(ks[0], (B, 1), 0, V, dtype=jnp.int32)
    outside = jax.random.randint(ks[1], (B, 1), 0, V, dtype=center.dtype)
    coocs = jax.random.uniform(ks[2], (B, 1), dtype=jnp.float32)
    weighting = jax.random.uniform(ks[3], (B, 1), dtype=jnp.float32)
    W_center = jax.random.normal(ks[4], (V, E), dtype=jnp.float32) * 0.02
    W_outside = jax.random.normal(ks[5], (V, E), dtype=jnp.float32) * 0.02
    b_center = jax.random.normal(ks[6], (V, 1), dtype=jnp.float32) * 0.02
    b_outside = jax.random.normal(ks[7], (V, 1), dtype=jnp.float32) * 0.02
    return {
        "center": center,
        "outside": outside,
        "coocs": coocs,
        "weighting": weighting,
        "W_center": W_center,
        "W_outside": W_outside,
        "b_center": b_center,
        "b_outside": b_outside,
    }

def reference(center, outside, coocs, weighting, W_center, W_outside, b_center, b_outside):
    # nn.Embedding lookups: [B,1] indices -> [B,1,E]
    center_embeds = jnp.take(W_center, center, axis=0)      # [B,1,E]
    outside_embeds = jnp.take(W_outside, outside, axis=0)   # [B,1,E]
    center_bias = jnp.take(b_center, center, axis=0)[:, 0, :]   # squeeze(1): [B,1,1]->[B,1]
    target_bias = jnp.take(b_outside, outside, axis=0)[:, 0, :] # [B,1]
    # bmm(outside_embeds [B,1,E], center_embeds^T [B,E,1]) -> [B,1,1], squeeze(2) -> [B,1]
    inner_product = jnp.einsum('bqe,bke->bqk', outside_embeds, center_embeds)[:, :, 0]
    loss = weighting * jnp.power(inner_product + center_bias + target_bias - coocs, 2)
    return jnp.sum(loss)

if __name__ == "__main__":
    import jax
    _d = setup_inputs()
    print(jax.jit(kernel)(*tuple(_d.values())))

</pallas_src>

<mosaic_0001>
#map = affine_map<(d0, d1) -> (0)>
#map1 = affine_map<(d0, d1) -> (0, 0)>
module attributes {stable_mosaic.version = 14 : i64} {
  func.func @_glove_body(%arg0: i32, %arg1: i32, %arg2: memref<16384xi32, #tpu.memory_space<hbm>>, %arg3: memref<16384xi32, #tpu.memory_space<hbm>>, %arg4: memref<16384xf32, #tpu.memory_space<hbm>>, %arg5: memref<16384xf32, #tpu.memory_space<hbm>>, %arg6: memref<1000000x32xf32, #tpu.memory_space<hbm>>, %arg7: memref<1000000x32xf32, #tpu.memory_space<hbm>>, %arg8: memref<1000000xf32, #tpu.memory_space<hbm>>, %arg9: memref<1000000xf32, #tpu.memory_space<hbm>>, %arg10: memref<512xf32, #tpu.memory_space<hbm>>, %arg11: memref<16x32xf32, #tpu.memory_space<vmem>>, %arg12: memref<16x32xf32, #tpu.memory_space<vmem>>, %arg13: memref<512xi32, #tpu.memory_space<vmem>>, %arg14: memref<512xi32, #tpu.memory_space<vmem>>, %arg15: memref<512xf32, #tpu.memory_space<vmem>>, %arg16: memref<512xf32, #tpu.memory_space<vmem>>, %arg17: memref<512xf32, #tpu.memory_space<vmem>>, %arg18: memref<512xf32, #tpu.memory_space<vmem>>, %arg19: memref<16xf32, #tpu.memory_space<vmem>>, %arg20: memref<!tpu.dma_semaphore, #tpu.memory_space<semaphore_mem>>, %arg21: memref<!tpu.dma_semaphore, #tpu.memory_space<semaphore_mem>>) attributes {dimension_semantics = [#tpu.dimension_semantics<core_parallel>, #tpu.dimension_semantics<subcore_parallel>], iteration_bounds = array<i64: 2, 16>, scalar_prefetch = 0 : i64, scratch_operands = 11 : i64, tpu.core_type = #tpu.core_type<sc_vector_subcore>, window_params = [{transform_indices = #map}, {transform_indices = #map}, {transform_indices = #map}, {transform_indices = #map}, {transform_indices = #map1}, {transform_indices = #map1}, {transform_indices = #map}, {transform_indices = #map}, {transform_indices = #map}]} {
    %mul3A = arith.constant 2 : i32
    %mul3A_0 = arith.muli %arg1, %mul3A : i32
    %add3A = arith.addi %mul3A_0, %arg0 : i32
    %mul3A_1 = arith.constant 512 : i32
    %mul3A_2 = arith.muli %add3A, %mul3A_1 : i32
    "tpu.region"() ({
      %run_scoped3A = tpu.sem_alloc : memref<!tpu.dma_semaphore, #tpu.memory_space<semaphore_mem>>
      %dma_start3A_109 = tpu.memref_slice %arg2[%mul3A_2] : memref<16384xi32, #tpu.memory_space<hbm>> -> memref<512xi32, #tpu.memory_space<hbm>>
      %dma_start3A_110 = tpu.memref_slice %arg2[%mul3A_2] : memref<16384xi32, #tpu.memory_space<hbm>> -> memref<512xi32, #tpu.memory_space<hbm>>
      tpu.enqueue_dma source(%dma_start3A_110 : memref<512xi32, #tpu.memory_space<hbm>>) target(%arg13 : memref<512xi32, #tpu.memory_space<vmem>>) target_semaphore(%run_scoped3A : memref<!tpu.dma_semaphore, #tpu.memory_space<semaphore_mem>>)
      %dma_wait3A_111 = tpu.memref_slice %arg2[%mul3A_2] : memref<16384xi32, #tpu.memory_space<hbm>> -> memref<512xi32, #tpu.memory_space<hbm>>
      %dma_wait3A_112 = tpu.memref_slice %arg2[%mul3A_2] : memref<16384xi32, #tpu.memory_space<hbm>> -> memref<512xi32, #tpu.memory_space<hbm>>
      tpu.wait_dma2 semaphore(%run_scoped3A : memref<!tpu.dma_semaphore, #tpu.memory_space<semaphore_mem>>) src(%dma_wait3A_112 : memref<512xi32, #tpu.memory_space<hbm>>) dst(%arg13 : memref<512xi32, #tpu.memory_space<vmem>>)
      tpu.yield
    }) : () -> ()
    "tpu.region"() ({
      %run_scoped3A = tpu.sem_alloc : memref<!tpu.dma_semaphore, #tpu.memory_space<semaphore_mem>>
      %dma_start3A_109 = tpu.memref_slice %arg3[%mul3A_2] : memref<16384xi32, #tpu.memory_space<hbm>> -> memref<512xi32, #tpu.memory_space<hbm>>
      %dma_start3A_110 = tpu.memref_slice %arg3[%mul3A_2] : memref<16384xi32, #tpu.memory_space<hbm>> -> memref<512xi32, #tpu.memory_space<hbm>>
      tpu.enqueue_dma source(%dma_start3A_110 : memref<512xi32, #tpu.memory_space<hbm>>) target(%arg14 : memref<512xi32, #tpu.memory_space<vmem>>) target_semaphore(%run_scoped3A : memref<!tpu.dma_semaphore, #tpu.memory_space<semaphore_mem>>)
      %dma_wait3A_111 = tpu.memref_slice %arg3[%mul3A_2] : memref<16384xi32, #tpu.memory_space<hbm>> -> memref<512xi32, #tpu.memory_space<hbm>>
      %dma_wait3A_112 = tpu.memref_slice %arg3[%mul3A_2] : memref<16384xi32, #tpu.memory_space<hbm>> -> memref<512xi32, #tpu.memory_space<hbm>>
      tpu.wait_dma2 semaphore(%run_scoped3A : memref<!tpu.dma_semaphore, #tpu.memory_space<semaphore_mem>>) src(%dma_wait3A_112 : memref<512xi32, #tpu.memory_space<hbm>>) dst(%arg14 : memref<512xi32, #tpu.memory_space<vmem>>)
      tpu.yield
    }) : () -> ()
    %dma_start3A = arith.constant 0 : i32
    %dma_start3A_3 = tpu.memref_slice %arg15[%dma_start3A] : memref<512xf32, #tpu.memory_space<vmem>> -> memref<128xf32, #tpu.memory_space<vmem>>
    %dma_start3A_4 = arith.constant 0 : i32
    %dma_start3A_5 = tpu.memref_slice %arg13[%dma_start3A_4] : memref<512xi32, #tpu.memory_space<vmem>> -> memref<128xi32, #tpu.memory_space<vmem>>
    %dma_start3A_6 = arith.constant 0 : i32
    %dma_start3A_7 = tpu.memref_slice %arg8[%dma_start3A_6] : memref<1000000xf32, #tpu.memory_space<hbm>> -> memref<1000000xf32, #tpu.memory_space<hbm>>
    tpu.enqueue_indirect_dma source(%dma_start3A_7 : memref<1000000xf32, #tpu.memory_space<hbm>>) target(%dma_start3A_3 : memref<128xf32, #tpu.memory_space<vmem>>) offsets(%dma_start3A_5 : memref<128xi32, #tpu.memory_space<vmem>>) semaphore(%arg21 : memref<!tpu.dma_semaphore, #tpu.memory_space<semaphore_mem>>)
    %dma_start3A_8 = arith.constant 0 : i32
    %dma_start3A_9 = tpu.memref_slice %arg16[%dma_start3A_8] : memref<512xf32, #tpu.memory_space<vmem>> -> memref<128xf32, #tpu.memory_space<vmem>>
    %dma_start3A_10 = arith.constant 0 : i32
    %dma_start3A_11 = tpu.memref_slice %arg14[%dma_start3A_10] : memref<512xi32, #tpu.memory_space<vmem>> -> memref<128xi32, #tpu.memory_space<vmem>>
    %dma_start3A_12 = arith.constant 0 : i32
    %dma_start3A_13 = tpu.memref_slice %arg9[%dma_start3A_12] : memref<1000000xf32, #tpu.memory_space<hbm>> -> memref<1000000xf32, #tpu.memory_space<hbm>>
    tpu.enqueue_indirect_dma source(%dma_start3A_13 : memref<1000000xf32, #tpu.memory_space<hbm>>) target(%dma_start3A_9 : memref<128xf32, #tpu.memory_space<vmem>>) offsets(%dma_start3A_11 : memref<128xi32, #tpu.memory_space<vmem>>) semaphore(%arg21 : memref<!tpu.dma_semaphore, #tpu.memory_space<semaphore_mem>>)
    %dma_start3A_14 = arith.constant 128 : i32
    %dma_start3A_15 = tpu.memref_slice %arg15[%dma_start3A_14] : memref<512xf32, #tpu.memory_space<vmem>> -> memref<128xf32, #tpu.memory_space<vmem>>
    %dma_start3A_16 = arith.constant 128 : i32
    %dma_start3A_17 = tpu.memref_slice %arg13[%dma_start3A_16] : memref<512xi32, #tpu.memory_space<vmem>> -> memref<128xi32, #tpu.memory_space<vmem>>
    %dma_start3A_18 = arith.constant 0 : i32
    %dma_start3A_19 = tpu.memref_slice %arg8[%dma_start3A_18] : memref<1000000xf32, #tpu.memory_space<hbm>> -> memref<1000000xf32, #tpu.memory_space<hbm>>
    tpu.enqueue_indirect_dma source(%dma_start3A_19 : memref<1000000xf32, #tpu.memory_space<hbm>>) target(%dma_start3A_15 : memref<128xf32, #tpu.memory_space<vmem>>) offsets(%dma_start3A_17 : memref<128xi32, #tpu.memory_space<vmem>>) semaphore(%arg21 : memref<!tpu.dma_semaphore, #tpu.memory_space<semaphore_mem>>)
    %dma_start3A_20 = arith.constant 128 : i32
    %dma_start3A_21 = tpu.memref_slice %arg16[%dma_start3A_20] : memref<512xf32, #tpu.memory_space<vmem>> -> memref<128xf32, #tpu.memory_space<vmem>>
    %dma_start3A_22 = arith.constant 128 : i32
    %dma_start3A_23 = tpu.memref_slice %arg14[%dma_start3A_22] : memref<512xi32, #tpu.memory_space<vmem>> -> memref<128xi32, #tpu.memory_space<vmem>>
    %dma_start3A_24 = arith.constant 0 : i32
    %dma_start3A_25 = tpu.memref_slice %arg9[%dma_start3A_24] : memref<1000000xf32, #tpu.memory_space<hbm>> -> memref<1000000xf32, #tpu.memory_space<hbm>>
    tpu.enqueue_indirect_dma source(%dma_start3A_25 : memref<1000000xf32, #tpu.memory_space<hbm>>) target(%dma_start3A_21 : memref<128xf32, #tpu.memory_space<vmem>>) offsets(%dma_start3A_23 : memref<128xi32, #tpu.memory_space<vmem>>) semaphore(%arg21 : memref<!tpu.dma_semaphore, #tpu.memory_space<semaphore_mem>>)
    %dma_start3A_26 = arith.constant 256 : i32
    %dma_start3A_27 = tpu.memref_slice %arg15[%dma_start3A_26] : memref<512xf32, #tpu.memory_space<vmem>> -> memref<128xf32, #tpu.memory_space<vmem>>
    %dma_start3A_28 = arith.constant 256 : i32
    %dma_start3A_29 = tpu.memref_slice %arg13[%dma_start3A_28] : memref<512xi32, #tpu.memory_space<vmem>> -> memref<128xi32, #tpu.memory_space<vmem>>
    %dma_start3A_30 = arith.constant 0 : i32
    %dma_start3A_31 = tpu.memref_slice %arg8[%dma_start3A_30] : memref<1000000xf32, #tpu.memory_space<hbm>> -> memref<1000000xf32, #tpu.memory_space<hbm>>
    tpu.enqueue_indirect_dma source(%dma_start3A_31 : memref<1000000xf32, #tpu.memory_space<hbm>>) target(%dma_start3A_27 : memref<128xf32, #tpu.memory_space<vmem>>) offsets(%dma_start3A_29 : memref<128xi32, #tpu.memory_space<vmem>>) semaphore(%arg21 : memref<!tpu.dma_semaphore, #tpu.memory_space<semaphore_mem>>)
    %dma_start3A_32 = arith.constant 256 : i32
    %dma_start3A_33 = tpu.memref_slice %arg16[%dma_start3A_32] : memref<512xf32, #tpu.memory_space<vmem>> -> memref<128xf32, #tpu.memory_space<vmem>>
    %dma_start3A_34 = arith.constant 256 : i32
    %dma_start3A_35 = tpu.memref_slice %arg14[%dma_start3A_34] : memref<512xi32, #tpu.memory_space<vmem>> -> memref<128xi32, #tpu.memory_space<vmem>>
    %dma_start3A_36 = arith.constant 0 : i32
    %dma_start3A_37 = tpu.memref_slice %arg9[%dma_start3A_36] : memref<1000000xf32, #tpu.memory_space<hbm>> -> memref<1000000xf32, #tpu.memory_space<hbm>>
    tpu.enqueue_indirect_dma source(%dma_start3A_37 : memref<1000000xf32, #tpu.memory_space<hbm>>) target(%dma_start3A_33 : memref<128xf32, #tpu.memory_space<vmem>>) offsets(%dma_start3A_35 : memref<128xi32, #tpu.memory_space<vmem>>) semaphore(%arg21 : memref<!tpu.dma_semaphore, #tpu.memory_space<semaphore_mem>>)
    %dma_start3A_38 = arith.constant 384 : i32
    %dma_start3A_39 = tpu.memref_slice %arg15[%dma_start3A_38] : memref<512xf32, #tpu.memory_space<vmem>> -> memref<128xf32, #tpu.memory_space<vmem>>
    %dma_start3A_40 = arith.constant 384 : i32
    %dma_start3A_41 = tpu.memref_slice %arg13[%dma_start3A_40] : memref<512xi32, #tpu.memory_space<vmem>> -> memref<128xi32, #tpu.memory_space<vmem>>
    %dma_start3A_42 = arith.constant 0 : i32
    %dma_start3A_43 = tpu.memref_slice %arg8[%dma_start3A_42] : memref<1000000xf32, #tpu.memory_space<hbm>> -> memref<1000000xf32, #tpu.memory_space<hbm>>
    tpu.enqueue_indirect_dma source(%dma_start3A_43 : memref<1000000xf32, #tpu.memory_space<hbm>>) target(%dma_start3A_39 : memref<128xf32, #tpu.memory_space<vmem>>) offsets(%dma_start3A_41 : memref<128xi32, #tpu.memory_space<vmem>>) semaphore(%arg21 : memref<!tpu.dma_semaphore, #tpu.memory_space<semaphore_mem>>)
    %dma_start3A_44 = arith.constant 384 : i32
    %dma_start3A_45 = tpu.memref_slice %arg16[%dma_start3A_44] : memref<512xf32, #tpu.memory_space<vmem>> -> memref<128xf32, #tpu.memory_space<vmem>>
    %dma_start3A_46 = arith.constant 384 : i32
    %dma_start3A_47 = tpu.memref_slice %arg14[%dma_start3A_46] : memref<512xi32, #tpu.memory_space<vmem>> -> memref<128xi32, #tpu.memory_space<vmem>>
    %dma_start3A_48 = arith.constant 0 : i32
    %dma_start3A_49 = tpu.memref_slice %arg9[%dma_start3A_48] : memref<1000000xf32, #tpu.memory_space<hbm>> -> memref<1000000xf32, #tpu.memory_space<hbm>>
    tpu.enqueue_indirect_dma source(%dma_start3A_49 : memref<1000000xf32, #tpu.memory_space<hbm>>) target(%dma_start3A_45 : memref<128xf32, #tpu.memory_space<vmem>>) offsets(%dma_start3A_47 : memref<128xi32, #tpu.memory_space<vmem>>) semaphore(%arg21 : memref<!tpu.dma_semaphore, #tpu.memory_space<semaphore_mem>>)
    "tpu.region"() ({
      %run_scoped3A = tpu.sem_alloc : memref<!tpu.dma_semaphore, #tpu.memory_space<semaphore_mem>>
      %dma_start3A_109 = tpu.memref_slice %arg4[%mul3A_2] : memref<16384xf32, #tpu.memory_space<hbm>> -> memref<512xf32, #tpu.memory_space<hbm>>
      %dma_start3A_110 = tpu.memref_slice %arg4[%mul3A_2] : memref<16384xf32, #tpu.memory_space<hbm>> -> memref<512xf32, #tpu.memory_space<hbm>>
      tpu.enqueue_dma source(%dma_start3A_110 : memref<512xf32, #tpu.memory_space<hbm>>) target(%arg17 : memref<512xf32, #tpu.memory_space<vmem>>) target_semaphore(%run_scoped3A : memref<!tpu.dma_semaphore, #tpu.memory_space<semaphore_mem>>)
      %dma_wait3A_111 = tpu.memref_slice %arg4[%mul3A_2] : memref<16384xf32, #tpu.memory_space<hbm>> -> memref<512xf32, #tpu.memory_space<hbm>>
      %dma_wait3A_112 = tpu.memref_slice %arg4[%mul3A_2] : memref<16384xf32, #tpu.memory_space<hbm>> -> memref<512xf32, #tpu.memory_space<hbm>>
      tpu.wait_dma2 semaphore(%run_scoped3A : memref<!tpu.dma_semaphore, #tpu.memory_space<semaphore_mem>>) src(%dma_wait3A_112 : memref<512xf32, #tpu.memory_space<hbm>>) dst(%arg17 : memref<512xf32, #tpu.memory_space<vmem>>)
      tpu.yield
    }) : () -> ()
    "tpu.region"() ({
      %run_scoped3A = tpu.sem_alloc : memref<!tpu.dma_semaphore, #tpu.memory_space<semaphore_mem>>
      %dma_start3A_109 = tpu.memref_slice %arg5[%mul3A_2] : memref<16384xf32, #tpu.memory_space<hbm>> -> memref<512xf32, #tpu.memory_space<hbm>>
      %dma_start3A_110 = tpu.memref_slice %arg5[%mul3A_2] : memref<16384xf32, #tpu.memory_space<hbm>> -> memref<512xf32, #tpu.memory_space<hbm>>
      tpu.enqueue_dma source(%dma_start3A_110 : memref<512xf32, #tpu.memory_space<hbm>>) target(%arg18 : memref<512xf32, #tpu.memory_space<vmem>>) target_semaphore(%run_scoped3A : memref<!tpu.dma_semaphore, #tpu.memory_space<semaphore_mem>>)
      %dma_wait3A_111 = tpu.memref_slice %arg5[%mul3A_2] : memref<16384xf32, #tpu.memory_space<hbm>> -> memref<512xf32, #tpu.memory_space<hbm>>
      %dma_wait3A_112 = tpu.memref_slice %arg5[%mul3A_2] : memref<16384xf32, #tpu.memory_space<hbm>> -> memref<512xf32, #tpu.memory_space<hbm>>
      tpu.wait_dma2 semaphore(%run_scoped3A : memref<!tpu.dma_semaphore, #tpu.memory_space<semaphore_mem>>) src(%dma_wait3A_112 : memref<512xf32, #tpu.memory_space<hbm>>) dst(%arg18 : memref<512xf32, #tpu.memory_space<vmem>>)
      tpu.yield
    }) : () -> ()
    %scan3A = arith.constant 0.000000e+00 : f32
    %scan3A_50 = arith.constant 0 : i32
    %scan3A_51 = arith.constant 32 : i32
    %scan3A_52 = arith.addi %scan3A_50, %scan3A_51 : i32
    %scan3A_53 = arith.constant 1 : i32
    %scan3A_54 = scf.for %scan3A_109 = %scan3A_50 to %scan3A_52 step %scan3A_53 iter_args(%scan3A_110 = %scan3A) -> (f32)  : i32 {
      %mul3A_111 = arith.constant 16 : i32
      %mul3A_112 = arith.muli %scan3A_109, %mul3A_111 : i32
      %get3A = arith.index_cast %mul3A_112 : i32 to index
      %get3A_113 = tpu.vector_load %arg13[%get3A] {strides = array<i32>} : memref<512xi32, #tpu.memory_space<vmem>>, vector<16xi32>,
      %mul3A_114 = arith.constant 16 : i32
      %mul3A_115 = arith.muli %scan3A_109, %mul3A_114 : i32
      %get3A_116 = arith.index_cast %mul3A_115 : i32 to index
      %get3A_117 = tpu.vector_load %arg14[%get3A_116] {strides = array<i32>} : memref<512xi32, #tpu.memory_space<vmem>>, vector<16xi32>,
      %slice3A = vector.extract_strided_slice %get3A_113 {offsets = [0], sizes = [1], strides = [1]} : vector<16xi32> to vector<1xi32>
      %squeeze3A = vector.extract %slice3A[0] : i32 from vector<1xi32>
      %slice3A_118 = vector.extract_strided_slice %get3A_117 {offsets = [0], sizes = [1], strides = [1]} : vector<16xi32> to vector<1xi32>
      %squeeze3A_119 = vector.extract %slice3A_118[0] : i32 from vector<1xi32>
      %dma_start3A_120 = arith.constant 0 : i32
      %dma_start3A_121 = arith.constant 0 : i32
      %dma_start3A_122 = tpu.memref_slice %arg11[%dma_start3A_120, %dma_start3A_121] : memref<16x32xf32, #tpu.memory_space<vmem>> -> memref<1x32xf32, #tpu.memory_space<vmem>>
      %dma_start3A_123 = arith.constant 0 : i32
      %dma_start3A_124 = tpu.memref_slice %arg6[%squeeze3A, %dma_start3A_123] : memref<1000000x32xf32, #tpu.memory_space<hbm>> -> memref<1x32xf32, #tpu.memory_space<hbm>>
      %dma_start3A_125 = arith.constant 0 : i32
      %dma_start3A_126 = arith.constant 0 : i32
      %dma_start3A_127 = tpu.memref_slice %arg11[%dma_start3A_125, %dma_start3A_126] : memref<16x32xf32, #tpu.memory_space<vmem>> -> memref<1x32xf32, #tpu.memory_space<vmem>>
      %dma_start3A_128 = arith.constant 0 : i32
      %dma_start3A_129 = tpu.memref_slice %arg6[%squeeze3A, %dma_start3A_128] : memref<1000000x32xf32, #tpu.memory_space<hbm>> -> memref<1x32xf32, #tpu.memory_space<hbm>>
      tpu.enqueue_dma source(%dma_start3A_129 : memref<1x32xf32, #tpu.memory_space<hbm>>) target(%dma_start3A_127 : memref<1x32xf32, #tpu.memory_space<vmem>>) target_semaphore(%arg20 : memref<!tpu.dma_semaphore, #tpu.memory_space<semaphore_mem>>)
      %dma_start3A_130 = arith.constant 0 : i32
      %dma_start3A_131 = arith.constant 0 : i32
      %dma_start3A_132 = tpu.memref_slice %arg12[%dma_start3A_130, %dma_start3A_131] : memref<16x32xf32, #tpu.memory_space<vmem>> -> memref<1x32xf32, #tpu.memory_space<vmem>>
      %dma_start3A_133 = arith.constant 0 : i32
      %dma_start3A_134 = tpu.memref_slice %arg7[%squeeze3A_119, %dma_start3A_133] : memref<1000000x32xf32, #tpu.memory_space<hbm>> -> memref<1x32xf32, #tpu.memory_space<hbm>>
      %dma_start3A_135 = arith.constant 0 : i32
      %dma_start3A_136 = arith.constant 0 : i32
      %dma_start3A_137 = tpu.memref_slice %arg12[%dma_start3A_135, %dma_start3A_136] : memref<16x32xf32, #tpu.memory_space<vmem>> -> memref<1x32xf32, #tpu.memory_space<vmem>>
      %dma_start3A_138 = arith.constant 0 : i32
      %dma_start3A_139 = tpu.memref_slice %arg7[%squeeze3A_119, %dma_start3A_138] : memref<1000000x32xf32, #tpu.memory_space<hbm>> -> memref<1x32xf32, #tpu.memory_space<hbm>>
      tpu.enqueue_dma source(%dma_start3A_139 : memref<1x32xf32, #tpu.memory_space<hbm>>) target(%dma_start3A_137 : memref<1x32xf32, #tpu.memory_space<vmem>>) target_semaphore(%arg20 : memref<!tpu.dma_semaphore, #tpu.memory_space<semaphore_mem>>)
      %slice3A_140 = vector.extract_strided_slice %get3A_113 {offsets = [1], sizes = [1], strides = [1]} : vector<16xi32> to vector<1xi32>
      %squeeze3A_141 = vector.extract %slice3A_140[0] : i32 from vector<1xi32>
      %slice3A_142 = vector.extract_strided_slice %get3A_117 {offsets = [1], sizes = [1], strides = [1]} : vector<16xi32> to vector<1xi32>
      %squeeze3A_143 = vector.extract %slice3A_142[0] : i32 from vector<1xi32>
      %dma_start3A_144 = arith.constant 1 : i32
      %dma_start3A_145 = arith.constant 0 : i32
      %dma_start3A_146 = tpu.memref_slice %arg11[%dma_start3A_144, %dma_start3A_145] : memref<16x32xf32, #tpu.memory_space<vmem>> -> memref<1x32xf32, #tpu.memory_space<vmem>>
      %dma_start3A_147 = arith.constant 0 : i32
      %dma_start3A_148 = tpu.memref_slice %arg6[%squeeze3A_141, %dma_start3A_147] : memref<1000000x32xf32, #tpu.memory_space<hbm>> -> memref<1x32xf32, #tpu.memory_space<hbm>>
      %dma_start3A_149 = arith.constant 1 : i32
      %dma_start3A_150 = arith.constant 0 : i32
      %dma_start3A_151 = tpu.memref_slice %arg11[%dma_start3A_149, %dma_start3A_150] : memref<16x32xf32, #tpu.memory_space<vmem>> -> memref<1x32xf32, #tpu.memory_space<vmem>>
      %dma_start3A_152 = arith.constant 0 : i32
      %dma_start3A_153 = tpu.memref_slice %arg6[%squeeze3A_141, %dma_start3A_152] : memref<1000000x32xf32, #tpu.memory_space<hbm>> -> memref<1x32xf32, #tpu.memory_space<hbm>>
      tpu.enqueue_dma source(%dma_start3A_153 : memref<1x32xf32, #tpu.memory_space<hbm>>) target(%dma_start3A_151 : memref<1x32xf32, #tpu.memory_space<vmem>>) target_semaphore(%arg20 : memref<!tpu.dma_semaphore, #tpu.memory_space<semaphore_mem>>)
      %dma_start3A_154 = arith.constant 1 : i32
      %dma_start3A_155 = arith.constant 0 : i32
      %dma_start3A_156 = tpu.memref_slice %arg12[%dma_start3A_154, %dma_start3A_155] : memref<16x32xf32, #tpu.memory_space<vmem>> -> memref<1x32xf32, #tpu.memory_space<vmem>>
      %dma_start3A_157 = arith.constant 0 : i32
      %dma_start3A_158 = tpu.memref_slice %arg7[%squeeze3A_143, %dma_start3A_157] : memref<1000000x32xf32, #tpu.memory_space<hbm>> -> memref<1x32xf32, #tpu.memory_space<hbm>>
      %dma_start3A_159 = arith.constant 1 : i32
      %dma_start3A_160 = arith.constant 0 : i32
      %dma_start3A_161 = tpu.memref_slice %arg12[%dma_start3A_159, %dma_start3A_160] : memref<16x32xf32, #tpu.memory_space<vmem>> -> memref<1x32xf32, #tpu.memory_space<vmem>>
      %dma_start3A_162 = arith.constant 0 : i32
      %dma_start3A_163 = tpu.memref_slice %arg7[%squeeze3A_143, %dma_start3A_162] : memref<1000000x32xf32, #tpu.memory_space<hbm>> -> memref<1x32xf32, #tpu.memory_space<hbm>>
      tpu.enqueue_dma source(%dma_start3A_163 : memref<1x32xf32, #tpu.memory_space<hbm>>) target(%dma_start3A_161 : memref<1x32xf32, #tpu.memory_space<vmem>>) target_semaphore(%arg20 : memref<!tpu.dma_semaphore, #tpu.memory_space<semaphore_mem>>)
      %slice3A_164 = vector.extract_strided_slice %get3A_113 {offsets = [2], sizes = [1], strides = [1]} : vector<16xi32> to vector<1xi32>
      %squeeze3A_165 = vector.extract %slice3A_164[0] : i32 from vector<1xi32>
      %slice3A_166 = vector.extract_strided_slice %get3A_117 {offsets = [2], sizes = [1], strides = [1]} : vector<16xi32> to vector<1xi32>
      %squeeze3A_167 = vector.extract %slice3A_166[0] : i32 from vector<1xi32>
      %dma_start3A_168 = arith.constant 2 : i32
      %dma_start3A_169 = arith.constant 0 : i32
      %dma_start3A_170 = tpu.memref_slice %arg11[%dma_start3A_168, %dma_start3A_169] : memref<16x32xf32, #tpu.memory_space<vmem>> -> memref<1x32xf32, #tpu.memory_space<vmem>>
      %dma_start3A_171 = arith.constant 0 : i32
      %dma_start3A_172 = tpu.memref_slice %arg6[%squeeze3A_165, %dma_start3A_171] : memref<1000000x32xf32, #tpu.memory_space<hbm>> -> memref<1x32xf32, #tpu.memory_space<hbm>>
      %dma_start3A_173 = arith.constant 2 : i32
      %dma_start3A_174 = arith.constant 0 : i32
      %dma_start3A_175 = tpu.memref_slice %arg11[%dma_start3A_173, %dma_start3A_174] : memref<16x32xf32, #tpu.memory_space<vmem>> -> memref<1x32xf32, #tpu.memory_space<vmem>>
      %dma_start3A_176 = arith.constant 0 : i32
      %dma_start3A_177 = tpu.memref_slice %arg6[%squeeze3A_165, %dma_start3A_176] : memref<1000000x32xf32, #tpu.memory_space<hbm>> -> memref<1x32xf32, #tpu.memory_space<hbm>>
      tpu.enqueue_dma source(%dma_start3A_177 : memref<1x32xf32, #tpu.memory_space<hbm>>) target(%dma_start3A_175 : memref<1x32xf32, #tpu.memory_space<vmem>>) target_semaphore(%arg20 : memref<!tpu.dma_semaphore, #tpu.memory_space<semaphore_mem>>)
      %dma_start3A_178 = arith.constant 2 : i32
      %dma_start3A_179 = arith.constant 0 : i32
      %dma_start3A_180 = tpu.memref_slice %arg12[%dma_start3A_178, %dma_start3A_179] : memref<16x32xf32, #tpu.memory_space<vmem>> -> memref<1x32xf32, #tpu.memory_space<vmem>>
      %dma_start3A_181 = arith.constant 0 : i32
      %dma_start3A_182 = tpu.memref_slice %arg7[%squeeze3A_167, %dma_start3A_181] : memref<1000000x32xf32, #tpu.memory_space<hbm>> -> memref<1x32xf32, #tpu.memory_space<hbm>>
      %dma_start3A_183 = arith.constant 2 : i32
      %dma_start3A_184 = arith.constant 0 : i32
      %dma_start3A_185 = tpu.memref_slice %arg12[%dma_start3A_183, %dma_start3A_184] : memref<16x32xf32, #tpu.memory_space<vmem>> -> memref<1x32xf32, #tpu.memory_space<vmem>>
      %dma_start3A_186 = arith.constant 0 : i32
      %dma_start3A_187 = tpu.memref_slice %arg7[%squeeze3A_167, %dma_start3A_186] : memref<1000000x32xf32, #tpu.memory_space<hbm>> -> memref<1x32xf32, #tpu.memory_space<hbm>>
      tpu.enqueue_dma source(%dma_start3A_187 : memref<1x32xf32, #tpu.memory_space<hbm>>) target(%dma_start3A_185 : memref<1x32xf32, #tpu.memory_space<vmem>>) target_semaphore(%arg20 : memref<!tpu.dma_semaphore, #tpu.memory_space<semaphore_mem>>)
      %slice3A_188 = vector.extract_strided_slice %get3A_113 {offsets = [3], sizes = [1], strides = [1]} : vector<16xi32> to vector<1xi32>
      %squeeze3A_189 = vector.extract %slice3A_188[0] : i32 from vector<1xi32>
      %slice3A_190 = vector.extract_strided_slice %get3A_117 {offsets = [3], sizes = [1], strides = [1]} : vector<16xi32> to vector<1xi32>
      %squeeze3A_191 = vector.extract %slice3A_190[0] : i32 from vector<1xi32>
      %dma_start3A_192 = arith.constant 3 : i32
      %dma_start3A_193 = arith.constant 0 : i32
      %dma_start3A_194 = tpu.memref_slice %arg11[%dma_start3A_192, %dma_start3A_193] : memref<16x32xf32, #tpu.memory_space<vmem>> -> memref<1x32xf32, #tpu.memory_space<vmem>>
      %dma_start3A_195 = arith.constant 0 : i32
      %dma_start3A_196 = tpu.memref_slice %arg6[%squeeze3A_189, %dma_start3A_195] : memref<1000000x32xf32, #tpu.memory_space<hbm>> -> memref<1x32xf32, #tpu.memory_space<hbm>>
      %dma_start3A_197 = arith.constant 3 : i32
      %dma_start3A_198 = arith.constant 0 : i32
      %dma_start3A_199 = tpu.memref_slice %arg11[%dma_start3A_197, %dma_start3A_198] : memref<16x32xf32, #tpu.memory_space<vmem>> -> memref<1x32xf32, #tpu.memory_space<vmem>>
      %dma_start3A_200 = arith.constant 0 : i32
      %dma_start3A_201 = tpu.memref_slice %arg6[%squeeze3A_189, %dma_start3A_200] : memref<1000000x32xf32, #tpu.memory_space<hbm>> -> memref<1x32xf32, #tpu.memory_space<hbm>>
      tpu.enqueue_dma source(%dma_start3A_201 : memref<1x32xf32, #tpu.memory_space<hbm>>) target(%dma_start3A_199 : memref<1x32xf32, #tpu.memory_space<vmem>>) target_semaphore(%arg20 : memref<!tpu.dma_semaphore, #tpu.memory_space<semaphore_mem>>)
      %dma_start3A_202 = arith.constant 3 : i32
      %dma_start3A_203 = arith.constant 0 : i32
      %dma_start3A_204 = tpu.memref_slice %arg12[%dma_start3A_202, %dma_start3A_203] : memref<16x32xf32, #tpu.memory_space<vmem>> -> memref<1x32xf32, #tpu.memory_space<vmem>>
      %dma_start3A_205 = arith.constant 0 : i32
      %dma_start3A_206 = tpu.memref_slice %arg7[%squeeze3A_191, %dma_start3A_205] : memref<1000000x32xf32, #tpu.memory_space<hbm>> -> memref<1x32xf32, #tpu.memory_space<hbm>>
      %dma_start3A_207 = arith.constant 3 : i32
      %dma_start3A_208 = arith.constant 0 : i32
      %dma_start3A_209 = tpu.memref_slice %arg12[%dma_start3A_207, %dma_start3A_208] : memref<16x32xf32, #tpu.memory_space<vmem>> -> memref<1x32xf32, #tpu.memory_space<vmem>>
      %dma_start3A_210 = arith.constant 0 : i32
      %dma_start3A_211 = tpu.memref_slice %arg7[%squeeze3A_191, %dma_start3A_210] : memref<1000000x32xf32, #tpu.memory_space<hbm>> -> memref<1x32xf32, #tpu.memory_space<hbm>>
      tpu.enqueue_dma source(%dma_start3A_211 : memref<1x32xf32, #tpu.memory_space<hbm>>) target(%dma_start3A_209 : memref<1x32xf32, #tpu.memory_space<vmem>>) target_semaphore(%arg20 : memref<!tpu.dma_semaphore, #tpu.memory_space<semaphore_mem>>)
      %slice3A_212 = vector.extract_strided_slice %get3A_113 {offsets = [4], sizes = [1], strides = [1]} : vector<16xi32> to vector<1xi32>
      %squeeze3A_213 = vector.extract %slice3A_212[0] : i32 from vector<1xi32>
      %slice3A_214 = vector.extract_strided_slice %get3A_117 {offsets = [4], sizes = [1], strides = [1]} : vector<16xi32> to vector<1xi32>
      %squeeze3A_215 = vector.extract %slice3A_214[0] : i32 from vector<1xi32>
      %dma_start3A_216 = arith.constant 4 : i32
      %dma_start3A_217 = arith.constant 0 : i32
      %dma_start3A_218 = tpu.memref_slice %arg11[%dma_start3A_216, %dma_start3A_217] : memref<16x32xf32, #tpu.memory_space<vmem>> -> memref<1x32xf32, #tpu.memory_space<vmem>>
      %dma_start3A_219 = arith.constant 0 : i32
      %dma_start3A_220 = tpu.memref_slice %arg6[%squeeze3A_213, %dma_start3A_219] : memref<1000000x32xf32, #tpu.memory_space<hbm>> -> memref<1x32xf32, #tpu.memory_space<hbm>>
      %dma_start3A_221 = arith.constant 4 : i32
      %dma_start3A_222 = arith.constant 0 : i32
      %dma_start3A_223 = tpu.memref_slice %arg11[%dma_start3A_221, %dma_start3A_222] : memref<16x32xf32, #tpu.memory_space<vmem>> -> memref<1x32xf32, #tpu.memory_space<vmem>>
      %dma_start3A_224 = arith.constant 0 : i32
      %dma_start3A_225 = tpu.memref_slice %arg6[%squeeze3A_213, %dma_start3A_224] : memref<1000000x32xf32, #tpu.memory_space<hbm>> -> memref<1x32xf32, #tpu.memory_space<hbm>>
      tpu.enqueue_dma source(%dma_start3A_225 : memref<1x32xf32, #tpu.memory_space<hbm>>) target(%dma_start3A_223 : memref<1x32xf32, #tpu.memory_space<vmem>>) target_semaphore(%arg20 : memref<!tpu.dma_semaphore, #tpu.memory_space<semaphore_mem>>)
      %dma_start3A_226 = arith.constant 4 : i32
      %dma_start3A_227 = arith.constant 0 : i32
      %dma_start3A_228 = tpu.memref_slice %arg12[%dma_start3A_226, %dma_start3A_227] : memref<16x32xf32, #tpu.memory_space<vmem>> -> memref<1x32xf32, #tpu.memory_space<vmem>>
      %dma_start3A_229 = arith.constant 0 : i32
      %dma_start3A_230 = tpu.memref_slice %arg7[%squeeze3A_215, %dma_start3A_229] : memref<1000000x32xf32, #tpu.memory_space<hbm>> -> memref<1x32xf32, #tpu.memory_space<hbm>>
      %dma_start3A_231 = arith.constant 4 : i32
      %dma_start3A_232 = arith.constant 0 : i32
      %dma_start3A_233 = tpu.memref_slice %arg12[%dma_start3A_231, %dma_start3A_232] : memref<16x32xf32, #tpu.memory_space<vmem>> -> memref<1x32xf32, #tpu.memory_space<vmem>>
      %dma_start3A_234 = arith.constant 0 : i32
      %dma_start3A_235 = tpu.memref_slice %arg7[%squeeze3A_215, %dma_start3A_234] : memref<1000000x32xf32, #tpu.memory_space<hbm>> -> memref<1x32xf32, #tpu.memory_space<hbm>>
      tpu.enqueue_dma source(%dma_start3A_235 : memref<1x32xf32, #tpu.memory_space<hbm>>) target(%dma_start3A_233 : memref<1x32xf32, #tpu.memory_space<vmem>>) target_semaphore(%arg20 : memref<!tpu.dma_semaphore, #tpu.memory_space<semaphore_mem>>)
      %slice3A_236 = vector.extract_strided_slice %get3A_113 {offsets = [5], sizes = [1], strides = [1]} : vector<16xi32> to vector<1xi32>
      %squeeze3A_237 = vector.extract %slice3A_236[0] : i32 from vector<1xi32>
      %slice3A_238 = vector.extract_strided_slice %get3A_117 {offsets = [5], sizes = [1], strides = [1]} : vector<16xi32> to vector<1xi32>
      %squeeze3A_239 = vector.extract %slice3A_238[0] : i32 from vector<1xi32>
      %dma_start3A_240 = arith.constant 5 : i32
      %dma_start3A_241 = arith.constant 0 : i32
      %dma_start3A_242 = tpu.memref_slice %arg11[%dma_start3A_240, %dma_start3A_241] : memref<16x32xf32, #tpu.memory_space<vmem>> -> memref<1x32xf32, #tpu.memory_space<vmem>>
      %dma_start3A_243 = arith.constant 0 : i32
      %dma_start3A_244 = tpu.memref_slice %arg6[%squeeze3A_237, %dma_start3A_243] : memref<1000000x32xf32, #tpu.memory_space<hbm>> -> memref<1x32xf32, #tpu.memory_space<hbm>>
      %dma_start3A_245 = arith.constant 5 : i32
      %dma_start3A_246 = arith.constant 0 : i32
      %dma_start3A_247 = tpu.memref_slice %arg11[%dma_start3A_245, %dma_start3A_246] : memref<16x32xf32, #tpu.memory_space<vmem>> -> memref<1x32xf32, #tpu.memory_space<vmem>>
      %dma_start3A_248 = arith.constant 0 : i32
      %dma_start3A_249 = tpu.memref_slice %arg6[%squeeze3A_237, %dma_start3A_248] : memref<1000000x32xf32, #tpu.memory_space<hbm>> -> memref<1x32xf32, #tpu.memory_space<hbm>>
      tpu.enqueue_dma source(%dma_start3A_249 : memref<1x32xf32, #tpu.memory_space<hbm>>) target(%dma_start3A_247 : memref<1x32xf32, #tpu.memory_space<vmem>>) target_semaphore(%arg20 : memref<!tpu.dma_semaphore, #tpu.memory_space<semaphore_mem>>)
      %dma_start3A_250 = arith.constant 5 : i32
      %dma_start3A_251 = arith.constant 0 : i32
      %dma_start3A_252 = tpu.memref_slice %arg12[%dma_start3A_250, %dma_start3A_251] : memref<16x32xf32, #tpu.memory_space<vmem>> -> memref<1x32xf32, #tpu.memory_space<vmem>>
      %dma_start3A_253 = arith.constant 0 : i32
      %dma_start3A_254 = tpu.memref_slice %arg7[%squeeze3A_239, %dma_start3A_253] : memref<1000000x32xf32, #tpu.memory_space<hbm>> -> memref<1x32xf32, #tpu.memory_space<hbm>>
      %dma_start3A_255 = arith.constant 5 : i32
      %dma_start3A_256 = arith.constant 0 : i32
      %dma_start3A_257 = tpu.memref_slice %arg12[%dma_start3A_255, %dma_start3A_256] : memref<16x32xf32, #tpu.memory_space<vmem>> -> memref<1x32xf32, #tpu.memory_space<vmem>>
      %dma_start3A_258 = arith.constant 0 : i32
      %dma_start3A_259 = tpu.memref_slice %arg7[%squeeze3A_239, %dma_start3A_258] : memref<1000000x32xf32, #tpu.memory_space<hbm>> -> memref<1x32xf32, #tpu.memory_space<hbm>>
      tpu.enqueue_dma source(%dma_start3A_259 : memref<1x32xf32, #tpu.memory_space<hbm>>) target(%dma_start3A_257 : memref<1x32xf32, #tpu.memory_space<vmem>>) target_semaphore(%arg20 : memref<!tpu.dma_semaphore, #tpu.memory_space<semaphore_mem>>)
      %slice3A_260 = vector.extract_strided_slice %get3A_113 {offsets = [6], sizes = [1], strides = [1]} : vector<16xi32> to vector<1xi32>
      %squeeze3A_261 = vector.extract %slice3A_260[0] : i32 from vector<1xi32>
      %slice3A_262 = vector.extract_strided_slice %get3A_117 {offsets = [6], sizes = [1], strides = [1]} : vector<16xi32> to vector<1xi32>
      %squeeze3A_263 = vector.extract %slice3A_262[0] : i32 from vector<1xi32>
      %dma_start3A_264 = arith.constant 6 : i32
      %dma_start3A_265 = arith.constant 0 : i32
      %dma_start3A_266 = tpu.memref_slice %arg11[%dma_start3A_264, %dma_start3A_265] : memref<16x32xf32, #tpu.memory_space<vmem>> -> memref<1x32xf32, #tpu.memory_space<vmem>>
      %dma_start3A_267 = arith.constant 0 : i32
      %dma_start3A_268 = tpu.memref_slice %arg6[%squeeze3A_261, %dma_start3A_267] : memref<1000000x32xf32, #tpu.memory_space<hbm>> -> memref<1x32xf32, #tpu.memory_space<hbm>>
      %dma_start3A_269 = arith.constant 6 : i32
      %dma_start3A_270 = arith.constant 0 : i32
      %dma_start3A_271 = tpu.memref_slice %arg11[%dma_start3A_269, %dma_start3A_270] : memref<16x32xf32, #tpu.memory_space<vmem>> -> memref<1x32xf32, #tpu.memory_space<vmem>>
      %dma_start3A_272 = arith.constant 0 : i32
      %dma_start3A_273 = tpu.memref_slice %arg6[%squeeze3A_261, %dma_start3A_272] : memref<1000000x32xf32, #tpu.memory_space<hbm>> -> memref<1x32xf32, #tpu.memory_space<hbm>>
      tpu.enqueue_dma source(%dma_start3A_273 : memref<1x32xf32, #tpu.memory_space<hbm>>) target(%dma_start3A_271 : memref<1x32xf32, #tpu.memory_space<vmem>>) target_semaphore(%arg20 : memref<!tpu.dma_semaphore, #tpu.memory_space<semaphore_mem>>)
      %dma_start3A_274 = arith.constant 6 : i32
      %dma_start3A_275 = arith.constant 0 : i32
      %dma_start3A_276 = tpu.memref_slice %arg12[%dma_start3A_274, %dma_start3A_275] : memref<16x32xf32, #tpu.memory_space<vmem>> -> memref<1x32xf32, #tpu.memory_space<vmem>>
      %dma_start3A_277 = arith.constant 0 : i32
      %dma_start3A_278 = tpu.memref_slice %arg7[%squeeze3A_263, %dma_start3A_277] : memref<1000000x32xf32, #tpu.memory_space<hbm>> -> memref<1x32xf32, #tpu.memory_space<hbm>>
      %dma_start3A_279 = arith.constant 6 : i32
      %dma_start3A_280 = arith.constant 0 : i32
      %dma_start3A_281 = tpu.memref_slice %arg12[%dma_start3A_279, %dma_start3A_280] : memref<16x32xf32, #tpu.memory_space<vmem>> -> memref<1x32xf32, #tpu.memory_space<vmem>>
      %dma_start3A_282 = arith.constant 0 : i32
      %dma_start3A_283 = tpu.memref_slice %arg7[%squeeze3A_263, %dma_start3A_282] : memref<1000000x32xf32, #tpu.memory_space<hbm>> -> memref<1x32xf32, #tpu.memory_space<hbm>>
      tpu.enqueue_dma source(%dma_start3A_283 : memref<1x32xf32, #tpu.memory_space<hbm>>) target(%dma_start3A_281 : memref<1x32xf32, #tpu.memory_space<vmem>>) target_semaphore(%arg20 : memref<!tpu.dma_semaphore, #tpu.memory_space<semaphore_mem>>)
      %slice3A_284 = vector.extract_strided_slice %get3A_113 {offsets = [7], sizes = [1], strides = [1]} : vector<16xi32> to vector<1xi32>
      %squeeze3A_285 = vector.extract %slice3A_284[0] : i32 from vector<1xi32>
      %slice3A_286 = vector.extract_strided_slice %get3A_117 {offsets = [7], sizes = [1], strides = [1]} : vector<16xi32> to vector<1xi32>
      %squeeze3A_287 = vector.extract %slice3A_286[0] : i32 from vector<1xi32>
      %dma_start3A_288 = arith.constant 7 : i32
      %dma_start3A_289 = arith.constant 0 : i32
      %dma_start3A_290 = tpu.memref_slice %arg11[%dma_start3A_288, %dma_start3A_289] : memref<16x32xf32, #tpu.memory_space<vmem>> -> memref<1x32xf32, #tpu.memory_space<vmem>>
      %dma_start3A_291 = arith.constant 0 : i32
      %dma_start3A_292 = tpu.memref_slice %arg6[%squeeze3A_285, %dma_start3A_291] : memref<1000000x32xf32, #tpu.memory_space<hbm>> -> memref<1x32xf32, #tpu.memory_space<hbm>>
      %dma_start3A_293 = arith.constant 7 : i32
      %dma_start3A_294 = arith.constant 0 : i32
      %dma_start3A_295 = tpu.memref_slice %arg11[%dma_start3A_293, %dma_start3A_294] : memref<16x32xf32, #tpu.memory_space<vmem>> -> memref<1x32xf32, #tpu.memory_space<vmem>>
      %dma_start3A_296 = arith.constant 0 : i32
      %dma_start3A_297 = tpu.memref_slice %arg6[%squeeze3A_285, %dma_start3A_296] : memref<1000000x32xf32, #tpu.memory_space<hbm>> -> memref<1x32xf32, #tpu.memory_space<hbm>>
      tpu.enqueue_dma source(%dma_start3A_297 : memref<1x32xf32, #tpu.memory_space<hbm>>) target(%dma_start3A_295 : memref<1x32xf32, #tpu.memory_space<vmem>>) target_semaphore(%arg20 : memref<!tpu.dma_semaphore, #tpu.memory_space<semaphore_mem>>)
      %dma_start3A_298 = arith.constant 7 : i32
      %dma_start3A_299 = arith.constant 0 : i32
      %dma_start3A_300 = tpu.memref_slice %arg12[%dma_start3A_298, %dma_start3A_299] : memref<16x32xf32, #tpu.memory_space<vmem>> -> memref<1x32xf32, #tpu.memory_space<vmem>>
      %dma_start3A_301 = arith.constant 0 : i32
      %dma_start3A_302 = tpu.memref_slice %arg7[%squeeze3A_287, %dma_start3A_301] : memref<1000000x32xf32, #tpu.memory_space<hbm>> -> memref<1x32xf32, #tpu.memory_space<hbm>>
      %dma_start3A_303 = arith.constant 7 : i32
      %dma_start3A_304 = arith.constant 0 : i32
      %dma_start3A_305 = tpu.memref_slice %arg12[%dma_start3A_303, %dma_start3A_304] : memref<16x32xf32, #tpu.memory_space<vmem>> -> memref<1x32xf32, #tpu.memory_space<vmem>>
      %dma_start3A_306 = arith.constant 0 : i32
      %dma_start3A_307 = tpu.memref_slice %arg7[%squeeze3A_287, %dma_start3A_306] : memref<1000000x32xf32, #tpu.memory_space<hbm>> -> memref<1x32xf32, #tpu.memory_space<hbm>>
      tpu.enqueue_dma source(%dma_start3A_307 : memref<1x32xf32, #tpu.memory_space<hbm>>) target(%dma_start3A_305 : memref<1x32xf32, #tpu.memory_space<vmem>>) target_semaphore(%arg20 : memref<!tpu.dma_semaphore, #tpu.memory_space<semaphore_mem>>)
      %slice3A_308 = vector.extract_strided_slice %get3A_113 {offsets = [8], sizes = [1], strides = [1]} : vector<16xi32> to vector<1xi32>
      %squeeze3A_309 = vector.extract %slice3A_308[0] : i32 from vector<1xi32>
      %slice3A_310 = vector.extract_strided_slice %get3A_117 {offsets = [8], sizes = [1], strides = [1]} : vector<16xi32> to vector<1xi32>
      %squeeze3A_311 = vector.extract %slice3A_310[0] : i32 from vector<1xi32>
      %dma_start3A_312 = arith.constant 8 : i32
      %dma_start3A_313 = arith.constant 0 : i32
      %dma_start3A_314 = tpu.memref_slice %arg11[%dma_start3A_312, %dma_start3A_313] : memref<16x32xf32, #tpu.memory_space<vmem>> -> memref<1x32xf32, #tpu.memory_space<vmem>>
      %dma_start3A_315 = arith.constant 0 : i32
      %dma_start3A_316 = tpu.memref_slice %arg6[%squeeze3A_309, %dma_start3A_315] : memref<1000000x32xf32, #tpu.memory_space<hbm>> -> memref<1x32xf32, #tpu.memory_space<hbm>>
      %dma_start3A_317 = arith.constant 8 : i32
      %dma_start3A_318 = arith.constant 0 : i32
      %dma_start3A_319 = tpu.memref_slice %arg11[%dma_start3A_317, %dma_start3A_318] : memref<16x32xf32, #tpu.memory_space<vmem>> -> memref<1x32xf32, #tpu.memory_space<vmem>>
      %dma_start3A_320 = arith.constant 0 : i32
      %dma_start3A_321 = tpu.memref_slice %arg6[%squeeze3A_309, %dma_start3A_320] : memref<1000000x32xf32, #tpu.memory_space<hbm>> -> memref<1x32xf32, #tpu.memory_space<hbm>>
      tpu.enqueue_dma source(%dma_start3A_321 : memref<1x32xf32, #tpu.memory_space<hbm>>) target(%dma_start3A_319 : memref<1x32xf32, #tpu.memory_space<vmem>>) target_semaphore(%arg20 : memref<!tpu.dma_semaphore, #tpu.memory_space<semaphore_mem>>)
      %dma_start3A_322 = arith.constant 8 : i32
      %dma_start3A_323 = arith.constant 0 : i32
      %dma_start3A_324 = tpu.memref_slice %arg12[%dma_start3A_322, %dma_start3A_323] : memref<16x32xf32, #tpu.memory_space<vmem>> -> memref<1x32xf32, #tpu.memory_space<vmem>>
      %dma_start3A_325 = arith.constant 0 : i32
      %dma_start3A_326 = tpu.memref_slice %arg7[%squeeze3A_311, %dma_start3A_325] : memref<1000000x32xf32, #tpu.memory_space<hbm>> -> memref<1x32xf32, #tpu.memory_space<hbm>>
      %dma_start3A_327 = arith.constant 8 : i32
      %dma_start3A_328 = arith.constant 0 : i32
      %dma_start3A_329 = tpu.memref_slice %arg12[%dma_start3A_327, %dma_start3A_328] : memref<16x32xf32, #tpu.memory_space<vmem>> -> memref<1x32xf32, #tpu.memory_space<vmem>>
      %dma_start3A_330 = arith.constant 0 : i32
      %dma_start3A_331 = tpu.memref_slice %arg7[%squeeze3A_311, %dma_start3A_330] : memref<1000000x32xf32, #tpu.memory_space<hbm>> -> memref<1x32xf32, #tpu.memory_space<hbm>>
      tpu.enqueue_dma source(%dma_start3A_331 : memref<1x32xf32, #tpu.memory_space<hbm>>) target(%dma_start3A_329 : memref<1x32xf32, #tpu.memory_space<vmem>>) target_semaphore(%arg20 : memref<!tpu.dma_semaphore, #tpu.memory_space<semaphore_mem>>)
      %slice3A_332 = vector.extract_strided_slice %get3A_113 {offsets = [9], sizes = [1], strides = [1]} : vector<16xi32> to vector<1xi32>
      %squeeze3A_333 = vector.extract %slice3A_332[0] : i32 from vector<1xi32>
      %slice3A_334 = vector.extract_strided_slice %get3A_117 {offsets = [9], sizes = [1], strides = [1]} : vector<16xi32> to vector<1xi32>
      %squeeze3A_335 = vector.extract %slice3A_334[0] : i32 from vector<1xi32>
      %dma_start3A_336 = arith.constant 9 : i32
      %dma_start3A_337 = arith.constant 0 : i32
      %dma_start3A_338 = tpu.memref_slice %arg11[%dma_start3A_336, %dma_start3A_337] : memref<16x32xf32, #tpu.memory_space<vmem>> -> memref<1x32xf32, #tpu.memory_space<vmem>>
      %dma_start3A_339 = arith.constant 0 : i32
      %dma_start3A_340 = tpu.memref_slice %arg6[%squeeze3A_333, %dma_start3A_339] : memref<1000000x32xf32, #tpu.memory_space<hbm>> -> memref<1x32xf32, #tpu.memory_space<hbm>>
      %dma_start3A_341 = arith.constant 9 : i32
      %dma_start3A_342 = arith.constant 0 : i32
      %dma_start3A_343 = tpu.memref_slice %arg11[%dma_start3A_341, %dma_start3A_342] : memref<16x32xf32, #tpu.memory_space<vmem>> -> memref<1x32xf32, #tpu.memory_space<vmem>>
      %dma_start3A_344 = arith.constant 0 : i32
      %dma_start3A_345 = tpu.memref_slice %arg6[%squeeze3A_333, %dma_start3A_344] : memref<1000000x32xf32, #tpu.memory_space<hbm>> -> memref<1x32xf32, #tpu.memory_space<hbm>>
      tpu.enqueue_dma source(%dma_start3A_345 : memref<1x32xf32, #tpu.memory_space<hbm>>) target(%dma_start3A_343 : memref<1x32xf32, #tpu.memory_space<vmem>>) target_semaphore(%arg20 : memref<!tpu.dma_semaphore, #tpu.memory_space<semaphore_mem>>)
      %dma_start3A_346 = arith.constant 9 : i32
      %dma_start3A_347 = arith.constant 0 : i32
      %dma_start3A_348 = tpu.memref_slice %arg12[%dma_start3A_346, %dma_start3A_347] : memref<16x32xf32, #tpu.memory_space<vmem>> -> memref<1x32xf32, #tpu.memory_space<vmem>>
      %dma_start3A_349 = arith.constant 0 : i32
      %dma_start3A_350 = tpu.memref_slice %arg7[%squeeze3A_335, %dma_start3A_349] : memref<1000000x32xf32, #tpu.memory_space<hbm>> -> memref<1x32xf32, #tpu.memory_space<hbm>>
      %dma_start3A_351 = arith.constant 9 : i32
      %dma_start3A_352 = arith.constant 0 : i32
      %dma_start3A_353 = tpu.memref_slice %arg12[%dma_start3A_351, %dma_start3A_352] : memref<16x32xf32, #tpu.memory_space<vmem>> -> memref<1x32xf32, #tpu.memory_space<vmem>>
      %dma_start3A_354 = arith.constant 0 : i32
      %dma_start3A_355 = tpu.memref_slice %arg7[%squeeze3A_335, %dma_start3A_354] : memref<1000000x32xf32, #tpu.memory_space<hbm>> -> memref<1x32xf32, #tpu.memory_space<hbm>>
      tpu.enqueue_dma source(%dma_start3A_355 : memref<1x32xf32, #tpu.memory_space<hbm>>) target(%dma_start3A_353 : memref<1x32xf32, #tpu.memory_space<vmem>>) target_semaphore(%arg20 : memref<!tpu.dma_semaphore, #tpu.memory_space<semaphore_mem>>)
      %slice3A_356 = vector.extract_strided_slice %get3A_113 {offsets = [10], sizes = [1], strides = [1]} : vector<16xi32> to vector<1xi32>
      %squeeze3A_357 = vector.extract %slice3A_356[0] : i32 from vector<1xi32>
      %slice3A_358 = vector.extract_strided_slice %get3A_117 {offsets = [10], sizes = [1], strides = [1]} : vector<16xi32> to vector<1xi32>
      %squeeze3A_359 = vector.extract %slice3A_358[0] : i32 from vector<1xi32>
      %dma_start3A_360 = arith.constant 10 : i32
      %dma_start3A_361 = arith.constant 0 : i32
      %dma_start3A_362 = tpu.memref_slice %arg11[%dma_start3A_360, %dma_start3A_361] : memref<16x32xf32, #tpu.memory_space<vmem>> -> memref<1x32xf32, #tpu.memory_space<vmem>>
      %dma_start3A_363 = arith.constant 0 : i32
      %dma_start3A_364 = tpu.memref_slice %arg6[%squeeze3A_357, %dma_start3A_363] : memref<1000000x32xf32, #tpu.memory_space<hbm>> -> memref<1x32xf32, #tpu.memory_space<hbm>>
      %dma_start3A_365 = arith.constant 10 : i32
      %dma_start3A_366 = arith.constant 0 : i32
      %dma_start3A_367 = tpu.memref_slice %arg11[%dma_start3A_365, %dma_start3A_366] : memref<16x32xf32, #tpu.memory_space<vmem>> -> memref<1x32xf32, #tpu.memory_space<vmem>>
      %dma_start3A_368 = arith.constant 0 : i32
      %dma_start3A_369 = tpu.memref_slice %arg6[%squeeze3A_357, %dma_start3A_368] : memref<1000000x32xf32, #tpu.memory_space<hbm>> -> memref<1x32xf32, #tpu.memory_space<hbm>>
      tpu.enqueue_dma source(%dma_start3A_369 : memref<1x32xf32, #tpu.memory_space<hbm>>) target(%dma_start3A_367 : memref<1x32xf32, #tpu.memory_space<vmem>>) target_semaphore(%arg20 : memref<!tpu.dma_semaphore, #tpu.memory_space<semaphore_mem>>)
      %dma_start3A_370 = arith.constant 10 : i32
      %dma_start3A_371 = arith.constant 0 : i32
      %dma_start3A_372 = tpu.memref_slice %arg12[%dma_start3A_370, %dma_start3A_371] : memref<16x32xf32, #tpu.memory_space<vmem>> -> memref<1x32xf32, #tpu.memory_space<vmem>>
      %dma_start3A_373 = arith.constant 0 : i32
      %dma_start3A_374 = tpu.memref_slice %arg7[%squeeze3A_359, %dma_start3A_373] : memref<1000000x32xf32, #tpu.memory_space<hbm>> -> memref<1x32xf32, #tpu.memory_space<hbm>>
      %dma_start3A_375 = arith.constant 10 : i32
      %dma_start3A_376 = arith.constant 0 : i32
      %dma_start3A_377 = tpu.memref_slice %arg12[%dma_start3A_375, %dma_start3A_376] : memref<16x32xf32, #tpu.memory_space<vmem>> -> memref<1x32xf32, #tpu.memory_space<vmem>>
      %dma_start3A_378 = arith.constant 0 : i32
      %dma_start3A_379 = tpu.memref_slice %arg7[%squeeze3A_359, %dma_start3A_378] : memref<1000000x32xf32, #tpu.memory_space<hbm>> -> memref<1x32xf32, #tpu.memory_space<hbm>>
      tpu.enqueue_dma source(%dma_start3A_379 : memref<1x32xf32, #tpu.memory_space<hbm>>) target(%dma_start3A_377 : memref<1x32xf32, #tpu.memory_space<vmem>>) target_semaphore(%arg20 : memref<!tpu.dma_semaphore, #tpu.memory_space<semaphore_mem>>)
      %slice3A_380 = vector.extract_strided_slice %get3A_113 {offsets = [11], sizes = [1], strides = [1]} : vector<16xi32> to vector<1xi32>
      %squeeze3A_381 = vector.extract %slice3A_380[0] : i32 from vector<1xi32>
      %slice3A_382 = vector.extract_strided_slice %get3A_117 {offsets = [11], sizes = [1], strides = [1]} : vector<16xi32> to vector<1xi32>
      %squeeze3A_383 = vector.extract %slice3A_382[0] : i32 from vector<1xi32>
      %dma_start3A_384 = arith.constant 11 : i32
      %dma_start3A_385 = arith.constant 0 : i32
      %dma_start3A_386 = tpu.memref_slice %arg11[%dma_start3A_384, %dma_start3A_385] : memref<16x32xf32, #tpu.memory_space<vmem>> -> memref<1x32xf32, #tpu.memory_space<vmem>>
      %dma_start3A_387 = arith.constant 0 : i32
      %dma_start3A_388 = tpu.memref_slice %arg6[%squeeze3A_381, %dma_start3A_387] : memref<1000000x32xf32, #tpu.memory_space<hbm>> -> memref<1x32xf32, #tpu.memory_space<hbm>>
      %dma_start3A_389 = arith.constant 11 : i32
      %dma_start3A_390 = arith.constant 0 : i32
      %dma_start3A_391 = tpu.memref_slice %arg11[%dma_start3A_389, %dma_start3A_390] : memref<16x32xf32, #tpu.memory_space<vmem>> -> memref<1x32xf32, #tpu.memory_space<vmem>>
      %dma_start3A_392 = arith.constant 0 : i32
      %dma_start3A_393 = tpu.memref_slice %arg6[%squeeze3A_381, %dma_start3A_392] : memref<1000000x32xf32, #tpu.memory_space<hbm>> -> memref<1x32xf32, #tpu.memory_space<hbm>>
      tpu.enqueue_dma source(%dma_start3A_393 : memref<1x32xf32, #tpu.memory_space<hbm>>) target(%dma_start3A_391 : memref<1x32xf32, #tpu.memory_space<vmem>>) target_semaphore(%arg20 : memref<!tpu.dma_semaphore, #tpu.memory_space<semaphore_mem>>)
      %dma_start3A_394 = arith.constant 11 : i32
      %dma_start3A_395 = arith.constant 0 : i32
      %dma_start3A_396 = tpu.memref_slice %arg12[%dma_start3A_394, %dma_start3A_395] : memref<16x32xf32, #tpu.memory_space<vmem>> -> memref<1x32xf32, #tpu.memory_space<vmem>>
      %dma_start3A_397 = arith.constant 0 : i32
      %dma_start3A_398 = tpu.memref_slice %arg7[%squeeze3A_383, %dma_start3A_397] : memref<1000000x32xf32, #tpu.memory_space<hbm>> -> memref<1x32xf32, #tpu.memory_space<hbm>>
      %dma_start3A_399 = arith.constant 11 : i32
      %dma_start3A_400 = arith.constant 0 : i32
      %dma_start3A_401 = tpu.memref_slice %arg12[%dma_start3A_399, %dma_start3A_400] : memref<16x32xf32, #tpu.memory_space<vmem>> -> memref<1x32xf32, #tpu.memory_space<vmem>>
      %dma_start3A_402 = arith.constant 0 : i32
      %dma_start3A_403 = tpu.memref_slice %arg7[%squeeze3A_383, %dma_start3A_402] : memref<1000000x32xf32, #tpu.memory_space<hbm>> -> memref<1x32xf32, #tpu.memory_space<hbm>>
      tpu.enqueue_dma source(%dma_start3A_403 : memref<1x32xf32, #tpu.memory_space<hbm>>) target(%dma_start3A_401 : memref<1x32xf32, #tpu.memory_space<vmem>>) target_semaphore(%arg20 : memref<!tpu.dma_semaphore, #tpu.memory_space<semaphore_mem>>)
      %slice3A_404 = vector.extract_strided_slice %get3A_113 {offsets = [12], sizes = [1], strides = [1]} : vector<16xi32> to vector<1xi32>
      %squeeze3A_405 = vector.extract %slice3A_404[0] : i32 from vector<1xi32>
      %slice3A_406 = vector.extract_strided_slice %get3A_117 {offsets = [12], sizes = [1], strides = [1]} : vector<16xi32> to vector<1xi32>
      %squeeze3A_407 = vector.extract %slice3A_406[0] : i32 from vector<1xi32>
      %dma_start3A_408 = arith.constant 12 : i32
      %dma_start3A_409 = arith.constant 0 : i32
      %dma_start3A_410 = tpu.memref_slice %arg11[%dma_start3A_408, %dma_start3A_409] : memref<16x32xf32, #tpu.memory_space<vmem>> -> memref<1x32xf32, #tpu.memory_space<vmem>>
      %dma_start3A_411 = arith.constant 0 : i32
      %dma_start3A_412 = tpu.memref_slice %arg6[%squeeze3A_405, %dma_start3A_411] : memref<1000000x32xf32, #tpu.memory_space<hbm>> -> memref<1x32xf32, #tpu.memory_space<hbm>>
      %dma_start3A_413 = arith.constant 12 : i32
      %dma_start3A_414 = arith.constant 0 : i32
      %dma_start3A_415 = tpu.memref_slice %arg11[%dma_start3A_413, %dma_start3A_414] : memref<16x32xf32, #tpu.memory_space<vmem>> -> memref<1x32xf32, #tpu.memory_space<vmem>>
      %dma_start3A_416 = arith.constant 0 : i32
      %dma_start3A_417 = tpu.memref_slice %arg6[%squeeze3A_405, %dma_start3A_416] : memref<1000000x32xf32, #tpu.memory_space<hbm>> -> memref<1x32xf32, #tpu.memory_space<hbm>>
      tpu.enqueue_dma source(%dma_start3A_417 : memref<1x32xf32, #tpu.memory_space<hbm>>) target(%dma_start3A_415 : memref<1x32xf32, #tpu.memory_space<vmem>>) target_semaphore(%arg20 : memref<!tpu.dma_semaphore, #tpu.memory_space<semaphore_mem>>)
      %dma_start3A_418 = arith.constant 12 : i32
      %dma_start3A_419 = arith.constant 0 : i32
      %dma_start3A_420 = tpu.memref_slice %arg12[%dma_start3A_418, %dma_start3A_419] : memref<16x32xf32, #tpu.memory_space<vmem>> -> memref<1x32xf32, #tpu.memory_space<vmem>>
      %dma_start3A_421 = arith.constant 0 : i32
      %dma_start3A_422 = tpu.memref_slice %arg7[%squeeze3A_407, %dma_start3A_421] : memref<1000000x32xf32, #tpu.memory_space<hbm>> -> memref<1x32xf32, #tpu.memory_space<hbm>>
      %dma_start3A_423 = arith.constant 12 : i32
      %dma_start3A_424 = arith.constant 0 : i32
      %dma_start3A_425 = tpu.memref_slice %arg12[%dma_start3A_423, %dma_start3A_424] : memref<16x32xf32, #tpu.memory_space<vmem>> -> memref<1x32xf32, #tpu.memory_space<vmem>>
      %dma_start3A_426 = arith.constant 0 : i32
      %dma_start3A_427 = tpu.memref_slice %arg7[%squeeze3A_407, %dma_start3A_426] : memref<1000000x32xf32, #tpu.memory_space<hbm>> -> memref<1x32xf32, #tpu.memory_space<hbm>>
      tpu.enqueue_dma source(%dma_start3A_427 : memref<1x32xf32, #tpu.memory_space<hbm>>) target(%dma_start3A_425 : memref<1x32xf32, #tpu.memory_space<vmem>>) target_semaphore(%arg20 : memref<!tpu.dma_semaphore, #tpu.memory_space<semaphore_mem>>)
      %slice3A_428 = vector.extract_strided_slice %get3A_113 {offsets = [13], sizes = [1], strides = [1]} : vector<16xi32> to vector<1xi32>
      %squeeze3A_429 = vector.extract %slice3A_428[0] : i32 from vector<1xi32>
      %slice3A_430 = vector.extract_strided_slice %get3A_117 {offsets = [13], sizes = [1], strides = [1]} : vector<16xi32> to vector<1xi32>
      %squeeze3A_431 = vector.extract %slice3A_430[0] : i32 from vector<1xi32>
      %dma_start3A_432 = arith.constant 13 : i32
      %dma_start3A_433 = arith.constant 0 : i32
      %dma_start3A_434 = tpu.memref_slice %arg11[%dma_start3A_432, %dma_start3A_433] : memref<16x32xf32, #tpu.memory_space<vmem>> -> memref<1x32xf32, #tpu.memory_space<vmem>>
      %dma_start3A_435 = arith.constant 0 : i32
      %dma_start3A_436 = tpu.memref_slice %arg6[%squeeze3A_429, %dma_start3A_435] : memref<1000000x32xf32, #tpu.memory_space<hbm>> -> memref<1x32xf32, #tpu.memory_space<hbm>>
      %dma_start3A_437 = arith.constant 13 : i32
      %dma_start3A_438 = arith.constant 0 : i32
      %dma_start3A_439 = tpu.memref_slice %arg11[%dma_start3A_437, %dma_start3A_438] : memref<16x32xf32, #tpu.memory_space<vmem>> -> memref<1x32xf32, #tpu.memory_space<vmem>>
      %dma_start3A_440 = arith.constant 0 : i32
      %dma_start3A_441 = tpu.memref_slice %arg6[%squeeze3A_429, %dma_start3A_440] : memref<1000000x32xf32, #tpu.memory_space<hbm>> -> memref<1x32xf32, #tpu.memory_space<hbm>>
      tpu.enqueue_dma source(%dma_start3A_441 : memref<1x32xf32, #tpu.memory_space<hbm>>) target(%dma_start3A_439 : memref<1x32xf32, #tpu.memory_space<vmem>>) target_semaphore(%arg20 : memref<!tpu.dma_semaphore, #tpu.memory_space<semaphore_mem>>)
      %dma_start3A_442 = arith.constant 13 : i32
      %dma_start3A_443 = arith.constant 0 : i32
      %dma_start3A_444 = tpu.memref_slice %arg12[%dma_start3A_442, %dma_start3A_443] : memref<16x32xf32, #tpu.memory_space<vmem>> -> memref<1x32xf32, #tpu.memory_space<vmem>>
      %dma_start3A_445 = arith.constant 0 : i32
      %dma_start3A_446 = tpu.memref_slice %arg7[%squeeze3A_431, %dma_start3A_445] : memref<1000000x32xf32, #tpu.memory_space<hbm>> -> memref<1x32xf32, #tpu.memory_space<hbm>>
      %dma_start3A_447 = arith.constant 13 : i32
      %dma_start3A_448 = arith.constant 0 : i32
      %dma_start3A_449 = tpu.memref_slice %arg12[%dma_start3A_447, %dma_start3A_448] : memref<16x32xf32, #tpu.memory_space<vmem>> -> memref<1x32xf32, #tpu.memory_space<vmem>>
      %dma_start3A_450 = arith.constant 0 : i32
      %dma_start3A_451 = tpu.memref_slice %arg7[%squeeze3A_431, %dma_start3A_450] : memref<1000000x32xf32, #tpu.memory_space<hbm>> -> memref<1x32xf32, #tpu.memory_space<hbm>>
      tpu.enqueue_dma source(%dma_start3A_451 : memref<1x32xf32, #tpu.memory_space<hbm>>) target(%dma_start3A_449 : memref<1x32xf32, #tpu.memory_space<vmem>>) target_semaphore(%arg20 : memref<!tpu.dma_semaphore, #tpu.memory_space<semaphore_mem>>)
      %slice3A_452 = vector.extract_strided_slice %get3A_113 {offsets = [14], sizes = [1], strides = [1]} : vector<16xi32> to vector<1xi32>
      %squeeze3A_453 = vector.extract %slice3A_452[0] : i32 from vector<1xi32>
      %slice3A_454 = vector.extract_strided_slice %get3A_117 {offsets = [14], sizes = [1], strides = [1]} : vector<16xi32> to vector<1xi32>
      %squeeze3A_455 = vector.extract %slice3A_454[0] : i32 from vector<1xi32>
      %dma_start3A_456 = arith.constant 14 : i32
      %dma_start3A_457 = arith.constant 0 : i32
      %dma_start3A_458 = tpu.memref_slice %arg11[%dma_start3A_456, %dma_start3A_457] : memref<16x32xf32, #tpu.memory_space<vmem>> -> memref<1x32xf32, #tpu.memory_space<vmem>>
      %dma_start3A_459 = arith.constant 0 : i32
      %dma_start3A_460 = tpu.memref_slice %arg6[%squeeze3A_453, %dma_start3A_459] : memref<1000000x32xf32, #tpu.memory_space<hbm>> -> memref<1x32xf32, #tpu.memory_space<hbm>>
      %dma_start3A_461 = arith.constant 14 : i32
      %dma_start3A_462 = arith.constant 0 : i32
      %dma_start3A_463 = tpu.memref_slice %arg11[%dma_start3A_461, %dma_start3A_462] : memref<16x32xf32, #tpu.memory_space<vmem>> -> memref<1x32xf32, #tpu.memory_space<vmem>>
      %dma_start3A_464 = arith.constant 0 : i32
      %dma_start3A_465 = tpu.memref_slice %arg6[%squeeze3A_453, %dma_start3A_464] : memref<1000000x32xf32, #tpu.memory_space<hbm>> -> memref<1x32xf32, #tpu.memory_space<hbm>>
      tpu.enqueue_dma source(%dma_start3A_465 : memref<1x32xf32, #tpu.memory_space<hbm>>) target(%dma_start3A_463 : memref<1x32xf32, #tpu.memory_space<vmem>>) target_semaphore(%arg20 : memref<!tpu.dma_semaphore, #tpu.memory_space<semaphore_mem>>)
      %dma_start3A_466 = arith.constant 14 : i32
      %dma_start3A_467 = arith.constant 0 : i32
      %dma_start3A_468 = tpu.memref_slice %arg12[%dma_start3A_466, %dma_start3A_467] : memref<16x32xf32, #tpu.memory_space<vmem>> -> memref<1x32xf32, #tpu.memory_space<vmem>>
      %dma_start3A_469 = arith.constant 0 : i32
      %dma_start3A_470 = tpu.memref_slice %arg7[%squeeze3A_455, %dma_start3A_469] : memref<1000000x32xf32, #tpu.memory_space<hbm>> -> memref<1x32xf32, #tpu.memory_space<hbm>>
      %dma_start3A_471 = arith.constant 14 : i32
      %dma_start3A_472 = arith.constant 0 : i32
      %dma_start3A_473 = tpu.memref_slice %arg12[%dma_start3A_471, %dma_start3A_472] : memref<16x32xf32, #tpu.memory_space<vmem>> -> memref<1x32xf32, #tpu.memory_space<vmem>>
      %dma_start3A_474 = arith.constant 0 : i32
      %dma_start3A_475 = tpu.memref_slice %arg7[%squeeze3A_455, %dma_start3A_474] : memref<1000000x32xf32, #tpu.memory_space<hbm>> -> memref<1x32xf32, #tpu.memory_space<hbm>>
      tpu.enqueue_dma source(%dma_start3A_475 : memref<1x32xf32, #tpu.memory_space<hbm>>) target(%dma_start3A_473 : memref<1x32xf32, #tpu.memory_space<vmem>>) target_semaphore(%arg20 : memref<!tpu.dma_semaphore, #tpu.memory_space<semaphore_mem>>)
      %slice3A_476 = vector.extract_strided_slice %get3A_113 {offsets = [15], sizes = [1], strides = [1]} : vector<16xi32> to vector<1xi32>
      %squeeze3A_477 = vector.extract %slice3A_476[0] : i32 from vector<1xi32>
      %slice3A_478 = vector.extract_strided_slice %get3A_117 {offsets = [15], sizes = [1], strides = [1]} : vector<16xi32> to vector<1xi32>
      %squeeze3A_479 = vector.extract %slice3A_478[0] : i32 from vector<1xi32>
      %dma_start3A_480 = arith.constant 15 : i32
      %dma_start3A_481 = arith.constant 0 : i32
      %dma_start3A_482 = tpu.memref_slice %arg11[%dma_start3A_480, %dma_start3A_481] : memref<16x32xf32, #tpu.memory_space<vmem>> -> memref<1x32xf32, #tpu.memory_space<vmem>>
      %dma_start3A_483 = arith.constant 0 : i32
      %dma_start3A_484 = tpu.memref_slice %arg6[%squeeze3A_477, %dma_start3A_483] : memref<1000000x32xf32, #tpu.memory_space<hbm>> -> memref<1x32xf32, #tpu.memory_space<hbm>>
      %dma_start3A_485 = arith.constant 15 : i32
      %dma_start3A_486 = arith.constant 0 : i32
      %dma_start3A_487 = tpu.memref_slice %arg11[%dma_start3A_485, %dma_start3A_486] : memref<16x32xf32, #tpu.memory_space<vmem>> -> memref<1x32xf32, #tpu.memory_space<vmem>>
      %dma_start3A_488 = arith.constant 0 : i32
      %dma_start3A_489 = tpu.memref_slice %arg6[%squeeze3A_477, %dma_start3A_488] : memref<1000000x32xf32, #tpu.memory_space<hbm>> -> memref<1x32xf32, #tpu.memory_space<hbm>>
      tpu.enqueue_dma source(%dma_start3A_489 : memref<1x32xf32, #tpu.memory_space<hbm>>) target(%dma_start3A_487 : memref<1x32xf32, #tpu.memory_space<vmem>>) target_semaphore(%arg20 : memref<!tpu.dma_semaphore, #tpu.memory_space<semaphore_mem>>)
      %dma_start3A_490 = arith.constant 15 : i32
      %dma_start3A_491 = arith.constant 0 : i32
      %dma_start3A_492 = tpu.memref_slice %arg12[%dma_start3A_490, %dma_start3A_491] : memref<16x32xf32, #tpu.memory_space<vmem>> -> memref<1x32xf32, #tpu.memory_space<vmem>>
      %dma_start3A_493 = arith.constant 0 : i32
      %dma_start3A_494 = tpu.memref_slice %arg7[%squeeze3A_479, %dma_start3A_493] : memref<1000000x32xf32, #tpu.memory_space<hbm>> -> memref<1x32xf32, #tpu.memory_space<hbm>>
      %dma_start3A_495 = arith.constant 15 : i32
      %dma_start3A_496 = arith.constant 0 : i32
      %dma_start3A_497 = tpu.memref_slice %arg12[%dma_start3A_495, %dma_start3A_496] : memref<16x32xf32, #tpu.memory_space<vmem>> -> memref<1x32xf32, #tpu.memory_space<vmem>>
      %dma_start3A_498 = arith.constant 0 : i32
      %dma_start3A_499 = tpu.memref_slice %arg7[%squeeze3A_479, %dma_start3A_498] : memref<1000000x32xf32, #tpu.memory_space<hbm>> -> memref<1x32xf32, #tpu.memory_space<hbm>>
      tpu.enqueue_dma source(%dma_start3A_499 : memref<1x32xf32, #tpu.memory_space<hbm>>) target(%dma_start3A_497 : memref<1x32xf32, #tpu.memory_space<vmem>>) target_semaphore(%arg20 : memref<!tpu.dma_semaphore, #tpu.memory_space<semaphore_mem>>)
      %mul3A_500 = arith.constant 16 : i32
      %mul3A_501 = arith.muli %scan3A_109, %mul3A_500 : i32
      %get3A_502 = arith.index_cast %mul3A_501 : i32 to index
      %get3A_503 = tpu.vector_load %arg15[%get3A_502] {strides = array<i32>} : memref<512xf32, #tpu.memory_space<vmem>>, vector<16xf32>,
      %mul3A_504 = arith.constant 16 : i32
      %mul3A_505 = arith.muli %scan3A_109, %mul3A_504 : i32
      %get3A_506 = arith.index_cast %mul3A_505 : i32 to index
      %get3A_507 = tpu.vector_load %arg16[%get3A_506] {strides = array<i32>} : memref<512xf32, #tpu.memory_space<vmem>>, vector<16xf32>,
      %mul3A_508 = arith.constant 16 : i32
      %mul3A_509 = arith.muli %scan3A_109, %mul3A_508 : i32
      %get3A_510 = arith.index_cast %mul3A_509 : i32 to index
      %get3A_511 = tpu.vector_load %arg17[%get3A_510] {strides = array<i32>} : memref<512xf32, #tpu.memory_space<vmem>>, vector<16xf32>,
      %mul3A_512 = arith.constant 16 : i32
      %mul3A_513 = arith.muli %scan3A_109, %mul3A_512 : i32
      %get3A_514 = arith.index_cast %mul3A_513 : i32 to index
      %get3A_515 = tpu.vector_load %arg18[%get3A_514] {strides = array<i32>} : memref<512xf32, #tpu.memory_space<vmem>>, vector<16xf32>,
      %add3A_516 = arith.addf %get3A_503, %get3A_507 : vector<16xf32>
      %sub3A = arith.subf %add3A_516, %get3A_511 : vector<16xf32>
      %dma_wait3A_517 = arith.constant 0 : i32
      %dma_wait3A_518 = arith.constant 0 : i32
      %dma_wait3A_519 = tpu.memref_slice %arg11[%dma_wait3A_517, %dma_wait3A_518] : memref<16x32xf32, #tpu.memory_space<vmem>> -> memref<1x32xf32, #tpu.memory_space<vmem>>
      %dma_wait3A_520 = arith.constant 0 : i32
      %dma_wait3A_521 = tpu.memref_slice %arg6[%squeeze3A, %dma_wait3A_520] : memref<1000000x32xf32, #tpu.memory_space<hbm>> -> memref<1x32xf32, #tpu.memory_space<hbm>>
      %dma_wait3A_522 = arith.constant 0 : i32
      %dma_wait3A_523 = arith.constant 0 : i32
      %dma_wait3A_524 = tpu.memref_slice %arg11[%dma_wait3A_522, %dma_wait3A_523] : memref<16x32xf32, #tpu.memory_space<vmem>> -> memref<1x32xf32, #tpu.memory_space<vmem>>
      %dma_wait3A_525 = arith.constant 0 : i32
      %dma_wait3A_526 = tpu.memref_slice %arg6[%squeeze3A, %dma_wait3A_525] : memref<1000000x32xf32, #tpu.memory_space<hbm>> -> memref<1x32xf32, #tpu.memory_space<hbm>>
      tpu.wait_dma2 semaphore(%arg20 : memref<!tpu.dma_semaphore, #tpu.memory_space<semaphore_mem>>) src(%dma_wait3A_526 : memref<1x32xf32, #tpu.memory_space<hbm>>) dst(%dma_wait3A_524 : memref<1x32xf32, #tpu.memory_space<vmem>>)
      %dma_wait3A_527 = arith.constant 0 : i32
      %dma_wait3A_528 = arith.constant 0 : i32
      %dma_wait3A_529 = tpu.memref_slice %arg12[%dma_wait3A_527, %dma_wait3A_528] : memref<16x32xf32, #tpu.memory_space<vmem>> -> memref<1x32xf32, #tpu.memory_space<vmem>>
      %dma_wait3A_530 = arith.constant 0 : i32
      %dma_wait3A_531 = tpu.memref_slice %arg7[%squeeze3A_119, %dma_wait3A_530] : memref<1000000x32xf32, #tpu.memory_space<hbm>> -> memref<1x32xf32, #tpu.memory_space<hbm>>
      %dma_wait3A_532 = arith.constant 0 : i32
      %dma_wait3A_533 = arith.constant 0 : i32
      %dma_wait3A_534 = tpu.memref_slice %arg12[%dma_wait3A_532, %dma_wait3A_533] : memref<16x32xf32, #tpu.memory_space<vmem>> -> memref<1x32xf32, #tpu.memory_space<vmem>>
      %dma_wait3A_535 = arith.constant 0 : i32
      %dma_wait3A_536 = tpu.memref_slice %arg7[%squeeze3A_119, %dma_wait3A_535] : memref<1000000x32xf32, #tpu.memory_space<hbm>> -> memref<1x32xf32, #tpu.memory_space<hbm>>
      tpu.wait_dma2 semaphore(%arg20 : memref<!tpu.dma_semaphore, #tpu.memory_space<semaphore_mem>>) src(%dma_wait3A_536 : memref<1x32xf32, #tpu.memory_space<hbm>>) dst(%dma_wait3A_534 : memref<1x32xf32, #tpu.memory_space<vmem>>)
      %dma_wait3A_537 = arith.constant 1 : i32
      %dma_wait3A_538 = arith.constant 0 : i32
      %dma_wait3A_539 = tpu.memref_slice %arg11[%dma_wait3A_537, %dma_wait3A_538] : memref<16x32xf32, #tpu.memory_space<vmem>> -> memref<1x32xf32, #tpu.memory_space<vmem>>
      %dma_wait3A_540 = arith.constant 0 : i32
      %dma_wait3A_541 = tpu.memref_slice %arg6[%squeeze3A_141, %dma_wait3A_540] : memref<1000000x32xf32, #tpu.memory_space<hbm>> -> memref<1x32xf32, #tpu.memory_space<hbm>>
      %dma_wait3A_542 = arith.constant 1 : i32
      %dma_wait3A_543 = arith.constant 0 : i32
      %dma_wait3A_544 = tpu.memref_slice %arg11[%dma_wait3A_542, %dma_wait3A_543] : memref<16x32xf32, #tpu.memory_space<vmem>> -> memref<1x32xf32, #tpu.memory_space<vmem>>
      %dma_wait3A_545 = arith.constant 0 : i32
      %dma_wait3A_546 = tpu.memref_slice %arg6[%squeeze3A_141, %dma_wait3A_545] : memref<1000000x32xf32, #tpu.memory_space<hbm>> -> memref<1x32xf32, #tpu.memory_space<hbm>>
      tpu.wait_dma2 semaphore(%arg20 : memref<!tpu.dma_semaphore, #tpu.memory_space<semaphore_mem>>) src(%dma_wait3A_546 : memref<1x32xf32, #tpu.memory_space<hbm>>) dst(%dma_wait3A_544 : memref<1x32xf32, #tpu.memory_space<vmem>>)
      %dma_wait3A_547 = arith.constant 1 : i32
      %dma_wait3A_548 = arith.constant 0 : i32
      %dma_wait3A_549 = tpu.memref_slice %arg12[%dma_wait3A_547, %dma_wait3A_548] : memref<16x32xf32, #tpu.memory_space<vmem>> -> memref<1x32xf32, #tpu.memory_space<vmem>>
      %dma_wait3A_550 = arith.constant 0 : i32
      %dma_wait3A_551 = tpu.memref_slice %arg7[%squeeze3A_143, %dma_wait3A_550] : memref<1000000x32xf32, #tpu.memory_space<hbm>> -> memref<1x32xf32, #tpu.memory_space<hbm>>
      %dma_wait3A_552 = arith.constant 1 : i32
      %dma_wait3A_553 = arith.constant 0 : i32
      %dma_wait3A_554 = tpu.memref_slice %arg12[%dma_wait3A_552, %dma_wait3A_553] : memref<16x32xf32, #tpu.memory_space<vmem>> -> memref<1x32xf32, #tpu.memory_space<vmem>>
      %dma_wait3A_555 = arith.constant 0 : i32
      %dma_wait3A_556 = tpu.memref_slice %arg7[%squeeze3A_143, %dma_wait3A_555] : memref<1000000x32xf32, #tpu.memory_space<hbm>> -> memref<1x32xf32, #tpu.memory_space<hbm>>
      tpu.wait_dma2 semaphore(%arg20 : memref<!tpu.dma_semaphore, #tpu.memory_space<semaphore_mem>>) src(%dma_wait3A_556 : memref<1x32xf32, #tpu.memory_space<hbm>>) dst(%dma_wait3A_554 : memref<1x32xf32, #tpu.memory_space<vmem>>)
      %dma_wait3A_557 = arith.constant 2 : i32
      %dma_wait3A_558 = arith.constant 0 : i32
      %dma_wait3A_559 = tpu.memref_slice %arg11[%dma_wait3A_557, %dma_wait3A_558] : memref<16x32xf32, #tpu.memory_space<vmem>> -> memref<1x32xf32, #tpu.memory_space<vmem>>
      %dma_wait3A_560 = arith.constant 0 : i32
      %dma_wait3A_561 = tpu.memref_slice %arg6[%squeeze3A_165, %dma_wait3A_560] : memref<1000000x32xf32, #tpu.memory_space<hbm>> -> memref<1x32xf32, #tpu.memory_space<hbm>>
      %dma_wait3A_562 = arith.constant 2 : i32
      %dma_wait3A_563 = arith.constant 0 : i32
      %dma_wait3A_564 = tpu.memref_slice %arg11[%dma_wait3A_562, %dma_wait3A_563] : memref<16x32xf32, #tpu.memory_space<vmem>> -> memref<1x32xf32, #tpu.memory_space<vmem>>
      %dma_wait3A_565 = arith.constant 0 : i32
      %dma_wait3A_566 = tpu.memref_slice %arg6[%squeeze3A_165, %dma_wait3A_565] : memref<1000000x32xf32, #tpu.memory_space<hbm>> -> memref<1x32xf32, #tpu.memory_space<hbm>>
      tpu.wait_dma2 semaphore(%arg20 : memref<!tpu.dma_semaphore, #tpu.memory_space<semaphore_mem>>) src(%dma_wait3A_566 : memref<1x32xf32, #tpu.memory_space<hbm>>) dst(%dma_wait3A_564 : memref<1x32xf32, #tpu.memory_space<vmem>>)
      %dma_wait3A_567 = arith.constant 2 : i32
      %dma_wait3A_568 = arith.constant 0 : i32
      %dma_wait3A_569 = tpu.memref_slice %arg12[%dma_wait3A_567, %dma_wait3A_568] : memref<16x32xf32, #tpu.memory_space<vmem>> -> memref<1x32xf32, #tpu.memory_space<vmem>>
      %dma_wait3A_570 = arith.constant 0 : i32
      %dma_wait3A_571 = tpu.memref_slice %arg7[%squeeze3A_167, %dma_wait3A_570] : memref<1000000x32xf32, #tpu.memory_space<hbm>> -> memref<1x32xf32, #tpu.memory_space<hbm>>
      %dma_wait3A_572 = arith.constant 2 : i32
      %dma_wait3A_573 = arith.constant 0 : i32
      %dma_wait3A_574 = tpu.memref_slice %arg12[%dma_wait3A_572, %dma_wait3A_573] : memref<16x32xf32, #tpu.memory_space<vmem>> -> memref<1x32xf32, #tpu.memory_space<vmem>>
      %dma_wait3A_575 = arith.constant 0 : i32
      %dma_wait3A_576 = tpu.memref_slice %arg7[%squeeze3A_167, %dma_wait3A_575] : memref<1000000x32xf32, #tpu.memory_space<hbm>> -> memref<1x32xf32, #tpu.memory_space<hbm>>
      tpu.wait_dma2 semaphore(%arg20 : memref<!tpu.dma_semaphore, #tpu.memory_space<semaphore_mem>>) src(%dma_wait3A_576 : memref<1x32xf32, #tpu.memory_space<hbm>>) dst(%dma_wait3A_574 : memref<1x32xf32, #tpu.memory_space<vmem>>)
      %dma_wait3A_577 = arith.constant 3 : i32
      %dma_wait3A_578 = arith.constant 0 : i32
      %dma_wait3A_579 = tpu.memref_slice %arg11[%dma_wait3A_577, %dma_wait3A_578] : memref<16x32xf32, #tpu.memory_space<vmem>> -> memref<1x32xf32, #tpu.memory_space<vmem>>
      %dma_wait3A_580 = arith.constant 0 : i32
      %dma_wait3A_581 = tpu.memref_slice %arg6[%squeeze3A_189, %dma_wait3A_580] : memref<1000000x32xf32, #tpu.memory_space<hbm>> -> memref<1x32xf32, #tpu.memory_space<hbm>>
      %dma_wait3A_582 = arith.constant 3 : i32
      %dma_wait3A_583 = arith.constant 0 : i32
      %dma_wait3A_584 = tpu.memref_slice %arg11[%dma_wait3A_582, %dma_wait3A_583] : memref<16x32xf32, #tpu.memory_space<vmem>> -> memref<1x32xf32, #tpu.memory_space<vmem>>
      %dma_wait3A_585 = arith.constant 0 : i32
      %dma_wait3A_586 = tpu.memref_slice %arg6[%squeeze3A_189, %dma_wait3A_585] : memref<1000000x32xf32, #tpu.memory_space<hbm>> -> memref<1x32xf32, #tpu.memory_space<hbm>>
      tpu.wait_dma2 semaphore(%arg20 : memref<!tpu.dma_semaphore, #tpu.memory_space<semaphore_mem>>) src(%dma_wait3A_586 : memref<1x32xf32, #tpu.memory_space<hbm>>) dst(%dma_wait3A_584 : memref<1x32xf32, #tpu.memory_space<vmem>>)
      %dma_wait3A_587 = arith.constant 3 : i32
      %dma_wait3A_588 = arith.constant 0 : i32
      %dma_wait3A_589 = tpu.memref_slice %arg12[%dma_wait3A_587, %dma_wait3A_588] : memref<16x32xf32, #tpu.memory_space<vmem>> -> memref<1x32xf32, #tpu.memory_space<vmem>>
      %dma_wait3A_590 = arith.constant 0 : i32
      %dma_wait3A_591 = tpu.memref_slice %arg7[%squeeze3A_191, %dma_wait3A_590] : memref<1000000x32xf32, #tpu.memory_space<hbm>> -> memref<1x32xf32, #tpu.memory_space<hbm>>
      %dma_wait3A_592 = arith.constant 3 : i32
      %dma_wait3A_593 = arith.constant 0 : i32
      %dma_wait3A_594 = tpu.memref_slice %arg12[%dma_wait3A_592, %dma_wait3A_593] : memref<16x32xf32, #tpu.memory_space<vmem>> -> memref<1x32xf32, #tpu.memory_space<vmem>>
      %dma_wait3A_595 = arith.constant 0 : i32
      %dma_wait3A_596 = tpu.memref_slice %arg7[%squeeze3A_191, %dma_wait3A_595] : memref<1000000x32xf32, #tpu.memory_space<hbm>> -> memref<1x32xf32, #tpu.memory_space<hbm>>
      tpu.wait_dma2 semaphore(%arg20 : memref<!tpu.dma_semaphore, #tpu.memory_space<semaphore_mem>>) src(%dma_wait3A_596 : memref<1x32xf32, #tpu.memory_space<hbm>>) dst(%dma_wait3A_594 : memref<1x32xf32, #tpu.memory_space<vmem>>)
      %dma_wait3A_597 = arith.constant 4 : i32
      %dma_wait3A_598 = arith.constant 0 : i32
      %dma_wait3A_599 = tpu.memref_slice %arg11[%dma_wait3A_597, %dma_wait3A_598] : memref<16x32xf32, #tpu.memory_space<vmem>> -> memref<1x32xf32, #tpu.memory_space<vmem>>
      %dma_wait3A_600 = arith.constant 0 : i32
      %dma_wait3A_601 = tpu.memref_slice %arg6[%squeeze3A_213, %dma_wait3A_600] : memref<1000000x32xf32, #tpu.memory_space<hbm>> -> memref<1x32xf32, #tpu.memory_space<hbm>>
      %dma_wait3A_602 = arith.constant 4 : i32
      %dma_wait3A_603 = arith.constant 0 : i32
      %dma_wait3A_604 = tpu.memref_slice %arg11[%dma_wait3A_602, %dma_wait3A_603] : memref<16x32xf32, #tpu.memory_space<vmem>> -> memref<1x32xf32, #tpu.memory_space<vmem>>
      %dma_wait3A_605 = arith.constant 0 : i32
      %dma_wait3A_606 = tpu.memref_slice %arg6[%squeeze3A_213, %dma_wait3A_605] : memref<1000000x32xf32, #tpu.memory_space<hbm>> -> memref<1x32xf32, #tpu.memory_space<hbm>>
      tpu.wait_dma2 semaphore(%arg20 : memref<!tpu.dma_semaphore, #tpu.memory_space<semaphore_mem>>) src(%dma_wait3A_606 : memref<1x32xf32, #tpu.memory_space<hbm>>) dst(%dma_wait3A_604 : memref<1x32xf32, #tpu.memory_space<vmem>>)
      %dma_wait3A_607 = arith.constant 4 : i32
      %dma_wait3A_608 = arith.constant 0 : i32
      %dma_wait3A_609 = tpu.memref_slice %arg12[%dma_wait3A_607, %dma_wait3A_608] : memref<16x32xf32, #tpu.memory_space<vmem>> -> memref<1x32xf32, #tpu.memory_space<vmem>>
      %dma_wait3A_610 = arith.constant 0 : i32
      %dma_wait3A_611 = tpu.memref_slice %arg7[%squeeze3A_215, %dma_wait3A_610] : memref<1000000x32xf32, #tpu.memory_space<hbm>> -> memref<1x32xf32, #tpu.memory_space<hbm>>
      %dma_wait3A_612 = arith.constant 4 : i32
      %dma_wait3A_613 = arith.constant 0 : i32
      %dma_wait3A_614 = tpu.memref_slice %arg12[%dma_wait3A_612, %dma_wait3A_613] : memref<16x32xf32, #tpu.memory_space<vmem>> -> memref<1x32xf32, #tpu.memory_space<vmem>>
      %dma_wait3A_615 = arith.constant 0 : i32
      %dma_wait3A_616 = tpu.memref_slice %arg7[%squeeze3A_215, %dma_wait3A_615] : memref<1000000x32xf32, #tpu.memory_space<hbm>> -> memref<1x32xf32, #tpu.memory_space<hbm>>
      tpu.wait_dma2 semaphore(%arg20 : memref<!tpu.dma_semaphore, #tpu.memory_space<semaphore_mem>>) src(%dma_wait3A_616 : memref<1x32xf32, #tpu.memory_space<hbm>>) dst(%dma_wait3A_614 : memref<1x32xf32, #tpu.memory_space<vmem>>)
      %dma_wait3A_617 = arith.constant 5 : i32
      %dma_wait3A_618 = arith.constant 0 : i32
      %dma_wait3A_619 = tpu.memref_slice %arg11[%dma_wait3A_617, %dma_wait3A_618] : memref<16x32xf32, #tpu.memory_space<vmem>> -> memref<1x32xf32, #tpu.memory_space<vmem>>
      %dma_wait3A_620 = arith.constant 0 : i32
      %dma_wait3A_621 = tpu.memref_slice %arg6[%squeeze3A_237, %dma_wait3A_620] : memref<1000000x32xf32, #tpu.memory_space<hbm>> -> memref<1x32xf32, #tpu.memory_space<hbm>>
      %dma_wait3A_622 = arith.constant 5 : i32
      %dma_wait3A_623 = arith.constant 0 : i32
      %dma_wait3A_624 = tpu.memref_slice %arg11[%dma_wait3A_622, %dma_wait3A_623] : memref<16x32xf32, #tpu.memory_space<vmem>> -> memref<1x32xf32, #tpu.memory_space<vmem>>
      %dma_wait3A_625 = arith.constant 0 : i32
      %dma_wait3A_626 = tpu.memref_slice %arg6[%squeeze3A_237, %dma_wait3A_625] : memref<1000000x32xf32, #tpu.memory_space<hbm>> -> memref<1x32xf32, #tpu.memory_space<hbm>>
      tpu.wait_dma2 semaphore(%arg20 : memref<!tpu.dma_semaphore, #tpu.memory_space<semaphore_mem>>) src(%dma_wait3A_626 : memref<1x32xf32, #tpu.memory_space<hbm>>) dst(%dma_wait3A_624 : memref<1x32xf32, #tpu.memory_space<vmem>>)
      %dma_wait3A_627 = arith.constant 5 : i32
      %dma_wait3A_628 = arith.constant 0 : i32
      %dma_wait3A_629 = tpu.memref_slice %arg12[%dma_wait3A_627, %dma_wait3A_628] : memref<16x32xf32, #tpu.memory_space<vmem>> -> memref<1x32xf32, #tpu.memory_space<vmem>>
      %dma_wait3A_630 = arith.constant 0 : i32
      %dma_wait3A_631 = tpu.memref_slice %arg7[%squeeze3A_239, %dma_wait3A_630] : memref<1000000x32xf32, #tpu.memory_space<hbm>> -> memref<1x32xf32, #tpu.memory_space<hbm>>
      %dma_wait3A_632 = arith.constant 5 : i32
      %dma_wait3A_633 = arith.constant 0 : i32
      %dma_wait3A_634 = tpu.memref_slice %arg12[%dma_wait3A_632, %dma_wait3A_633] : memref<16x32xf32, #tpu.memory_space<vmem>> -> memref<1x32xf32, #tpu.memory_space<vmem>>
      %dma_wait3A_635 = arith.constant 0 : i32
      %dma_wait3A_636 = tpu.memref_slice %arg7[%squeeze3A_239, %dma_wait3A_635] : memref<1000000x32xf32, #tpu.memory_space<hbm>> -> memref<1x32xf32, #tpu.memory_space<hbm>>
      tpu.wait_dma2 semaphore(%arg20 : memref<!tpu.dma_semaphore, #tpu.memory_space<semaphore_mem>>) src(%dma_wait3A_636 : memref<1x32xf32, #tpu.memory_space<hbm>>) dst(%dma_wait3A_634 : memref<1x32xf32, #tpu.memory_space<vmem>>)
      %dma_wait3A_637 = arith.constant 6 : i32
      %dma_wait3A_638 = arith.constant 0 : i32
      %dma_wait3A_639 = tpu.memref_slice %arg11[%dma_wait3A_637, %dma_wait3A_638] : memref<16x32xf32, #tpu.memory_space<vmem>> -> memref<1x32xf32, #tpu.memory_space<vmem>>
      %dma_wait3A_640 = arith.constant 0 : i32
      %dma_wait3A_641 = tpu.memref_slice %arg6[%squeeze3A_261, %dma_wait3A_640] : memref<1000000x32xf32, #tpu.memory_space<hbm>> -> memref<1x32xf32, #tpu.memory_space<hbm>>
      %dma_wait3A_642 = arith.constant 6 : i32
      %dma_wait3A_643 = arith.constant 0 : i32
      %dma_wait3A_644 = tpu.memref_slice %arg11[%dma_wait3A_642, %dma_wait3A_643] : memref<16x32xf32, #tpu.memory_space<vmem>> -> memref<1x32xf32, #tpu.memory_space<vmem>>
      %dma_wait3A_645 = arith.constant 0 : i32
      %dma_wait3A_646 = tpu.memref_slice %arg6[%squeeze3A_261, %dma_wait3A_645] : memref<1000000x32xf32, #tpu.memory_space<hbm>> -> memref<1x32xf32, #tpu.memory_space<hbm>>
      tpu.wait_dma2 semaphore(%arg20 : memref<!tpu.dma_semaphore, #tpu.memory_space<semaphore_mem>>) src(%dma_wait3A_646 : memref<1x32xf32, #tpu.memory_space<hbm>>) dst(%dma_wait3A_644 : memref<1x32xf32, #tpu.memory_space<vmem>>)
      %dma_wait3A_647 = arith.constant 6 : i32
      %dma_wait3A_648 = arith.constant 0 : i32
      %dma_wait3A_649 = tpu.memref_slice %arg12[%dma_wait3A_647, %dma_wait3A_648] : memref<16x32xf32, #tpu.memory_space<vmem>> -> memref<1x32xf32, #tpu.memory_space<vmem>>
      %dma_wait3A_650 = arith.constant 0 : i32
      %dma_wait3A_651 = tpu.memref_slice %arg7[%squeeze3A_263, %dma_wait3A_650] : memref<1000000x32xf32, #tpu.memory_space<hbm>> -> memref<1x32xf32, #tpu.memory_space<hbm>>
      %dma_wait3A_652 = arith.constant 6 : i32
      %dma_wait3A_653 = arith.constant 0 : i32
      %dma_wait3A_654 = tpu.memref_slice %arg12[%dma_wait3A_652, %dma_wait3A_653] : memref<16x32xf32, #tpu.memory_space<vmem>> -> memref<1x32xf32, #tpu.memory_space<vmem>>
      %dma_wait3A_655 = arith.constant 0 : i32
      %dma_wait3A_656 = tpu.memref_slice %arg7[%squeeze3A_263, %dma_wait3A_655] : memref<1000000x32xf32, #tpu.memory_space<hbm>> -> memref<1x32xf32, #tpu.memory_space<hbm>>
      tpu.wait_dma2 semaphore(%arg20 : memref<!tpu.dma_semaphore, #tpu.memory_space<semaphore_mem>>) src(%dma_wait3A_656 : memref<1x32xf32, #tpu.memory_space<hbm>>) dst(%dma_wait3A_654 : memref<1x32xf32, #tpu.memory_space<vmem>>)
      %dma_wait3A_657 = arith.constant 7 : i32
      %dma_wait3A_658 = arith.constant 0 : i32
      %dma_wait3A_659 = tpu.memref_slice %arg11[%dma_wait3A_657, %dma_wait3A_658] : memref<16x32xf32, #tpu.memory_space<vmem>> -> memref<1x32xf32, #tpu.memory_space<vmem>>
      %dma_wait3A_660 = arith.constant 0 : i32
      %dma_wait3A_661 = tpu.memref_slice %arg6[%squeeze3A_285, %dma_wait3A_660] : memref<1000000x32xf32, #tpu.memory_space<hbm>> -> memref<1x32xf32, #tpu.memory_space<hbm>>
      %dma_wait3A_662 = arith.constant 7 : i32
      %dma_wait3A_663 = arith.constant 0 : i32
      %dma_wait3A_664 = tpu.memref_slice %arg11[%dma_wait3A_662, %dma_wait3A_663] : memref<16x32xf32, #tpu.memory_space<vmem>> -> memref<1x32xf32, #tpu.memory_space<vmem>>
      %dma_wait3A_665 = arith.constant 0 : i32
      %dma_wait3A_666 = tpu.memref_slice %arg6[%squeeze3A_285, %dma_wait3A_665] : memref<1000000x32xf32, #tpu.memory_space<hbm>> -> memref<1x32xf32, #tpu.memory_space<hbm>>
      tpu.wait_dma2 semaphore(%arg20 : memref<!tpu.dma_semaphore, #tpu.memory_space<semaphore_mem>>) src(%dma_wait3A_666 : memref<1x32xf32, #tpu.memory_space<hbm>>) dst(%dma_wait3A_664 : memref<1x32xf32, #tpu.memory_space<vmem>>)
      %dma_wait3A_667 = arith.constant 7 : i32
      %dma_wait3A_668 = arith.constant 0 : i32
      %dma_wait3A_669 = tpu.memref_slice %arg12[%dma_wait3A_667, %dma_wait3A_668] : memref<16x32xf32, #tpu.memory_space<vmem>> -> memref<1x32xf32, #tpu.memory_space<vmem>>
      %dma_wait3A_670 = arith.constant 0 : i32
      %dma_wait3A_671 = tpu.memref_slice %arg7[%squeeze3A_287, %dma_wait3A_670] : memref<1000000x32xf32, #tpu.memory_space<hbm>> -> memref<1x32xf32, #tpu.memory_space<hbm>>
      %dma_wait3A_672 = arith.constant 7 : i32
      %dma_wait3A_673 = arith.constant 0 : i32
      %dma_wait3A_674 = tpu.memref_slice %arg12[%dma_wait3A_672, %dma_wait3A_673] : memref<16x32xf32, #tpu.memory_space<vmem>> -> memref<1x32xf32, #tpu.memory_space<vmem>>
      %dma_wait3A_675 = arith.constant 0 : i32
      %dma_wait3A_676 = tpu.memref_slice %arg7[%squeeze3A_287, %dma_wait3A_675] : memref<1000000x32xf32, #tpu.memory_space<hbm>> -> memref<1x32xf32, #tpu.memory_space<hbm>>
      tpu.wait_dma2 semaphore(%arg20 : memref<!tpu.dma_semaphore, #tpu.memory_space<semaphore_mem>>) src(%dma_wait3A_676 : memref<1x32xf32, #tpu.memory_space<hbm>>) dst(%dma_wait3A_674 : memref<1x32xf32, #tpu.memory_space<vmem>>)
      %dma_wait3A_677 = arith.constant 8 : i32
      %dma_wait3A_678 = arith.constant 0 : i32
      %dma_wait3A_679 = tpu.memref_slice %arg11[%dma_wait3A_677, %dma_wait3A_678] : memref<16x32xf32, #tpu.memory_space<vmem>> -> memref<1x32xf32, #tpu.memory_space<vmem>>
      %dma_wait3A_680 = arith.constant 0 : i32
      %dma_wait3A_681 = tpu.memref_slice %arg6[%squeeze3A_309, %dma_wait3A_680] : memref<1000000x32xf32, #tpu.memory_space<hbm>> -> memref<1x32xf32, #tpu.memory_space<hbm>>
      %dma_wait3A_682 = arith.constant 8 : i32
      %dma_wait3A_683 = arith.constant 0 : i32
      %dma_wait3A_684 = tpu.memref_slice %arg11[%dma_wait3A_682, %dma_wait3A_683] : memref<16x32xf32, #tpu.memory_space<vmem>> -> memref<1x32xf32, #tpu.memory_space<vmem>>
      %dma_wait3A_685 = arith.constant 0 : i32
      %dma_wait3A_686 = tpu.memref_slice %arg6[%squeeze3A_309, %dma_wait3A_685] : memref<1000000x32xf32, #tpu.memory_space<hbm>> -> memref<1x32xf32, #tpu.memory_space<hbm>>
      tpu.wait_dma2 semaphore(%arg20 : memref<!tpu.dma_semaphore, #tpu.memory_space<semaphore_mem>>) src(%dma_wait3A_686 : memref<1x32xf32, #tpu.memory_space<hbm>>) dst(%dma_wait3A_684 : memref<1x32xf32, #tpu.memory_space<vmem>>)
      %dma_wait3A_687 = arith.constant 8 : i32
      %dma_wait3A_688 = arith.constant 0 : i32
      %dma_wait3A_689 = tpu.memref_slice %arg12[%dma_wait3A_687, %dma_wait3A_688] : memref<16x32xf32, #tpu.memory_space<vmem>> -> memref<1x32xf32, #tpu.memory_space<vmem>>
      %dma_wait3A_690 = arith.constant 0 : i32
      %dma_wait3A_691 = tpu.memref_slice %arg7[%squeeze3A_311, %dma_wait3A_690] : memref<1000000x32xf32, #tpu.memory_space<hbm>> -> memref<1x32xf32, #tpu.memory_space<hbm>>
      %dma_wait3A_692 = arith.constant 8 : i32
      %dma_wait3A_693 = arith.constant 0 : i32
      %dma_wait3A_694 = tpu.memref_slice %arg12[%dma_wait3A_692, %dma_wait3A_693] : memref<16x32xf32, #tpu.memory_space<vmem>> -> memref<1x32xf32, #tpu.memory_space<vmem>>
      %dma_wait3A_695 = arith.constant 0 : i32
      %dma_wait3A_696 = tpu.memref_slice %arg7[%squeeze3A_311, %dma_wait3A_695] : memref<1000000x32xf32, #tpu.memory_space<hbm>> -> memref<1x32xf32, #tpu.memory_space<hbm>>
      tpu.wait_dma2 semaphore(%arg20 : memref<!tpu.dma_semaphore, #tpu.memory_space<semaphore_mem>>) src(%dma_wait3A_696 : memref<1x32xf32, #tpu.memory_space<hbm>>) dst(%dma_wait3A_694 : memref<1x32xf32, #tpu.memory_space<vmem>>)
      %dma_wait3A_697 = arith.constant 9 : i32
      %dma_wait3A_698 = arith.constant 0 : i32
      %dma_wait3A_699 = tpu.memref_slice %arg11[%dma_wait3A_697, %dma_wait3A_698] : memref<16x32xf32, #tpu.memory_space<vmem>> -> memref<1x32xf32, #tpu.memory_space<vmem>>
      %dma_wait3A_700 = arith.constant 0 : i32
      %dma_wait3A_701 = tpu.memref_slice %arg6[%squeeze3A_333, %dma_wait3A_700] : memref<1000000x32xf32, #tpu.memory_space<hbm>> -> memref<1x32xf32, #tpu.memory_space<hbm>>
      %dma_wait3A_702 = arith.constant 9 : i32
      %dma_wait3A_703 = arith.constant 0 : i32
      %dma_wait3A_704 = tpu.memref_slice %arg11[%dma_wait3A_702, %dma_wait3A_703] : memref<16x32xf32, #tpu.memory_space<vmem>> -> memref<1x32xf32, #tpu.memory_space<vmem>>
      %dma_wait3A_705 = arith.constant 0 : i32
      %dma_wait3A_706 = tpu.memref_slice %arg6[%squeeze3A_333, %dma_wait3A_705] : memref<1000000x32xf32, #tpu.memory_space<hbm>> -> memref<1x32xf32, #tpu.memory_space<hbm>>
      tpu.wait_dma2 semaphore(%arg20 : memref<!tpu.dma_semaphore, #tpu.memory_space<semaphore_mem>>) src(%dma_wait3A_706 : memref<1x32xf32, #tpu.memory_space<hbm>>) dst(%dma_wait3A_704 : memref<1x32xf32, #tpu.memory_space<vmem>>)
      %dma_wait3A_707 = arith.constant 9 : i32
      %dma_wait3A_708 = arith.constant 0 : i32
      %dma_wait3A_709 = tpu.memref_slice %arg12[%dma_wait3A_707, %dma_wait3A_708] : memref<16x32xf32, #tpu.memory_space<vmem>> -> memref<1x32xf32, #tpu.memory_space<vmem>>
      %dma_wait3A_710 = arith.constant 0 : i32
      %dma_wait3A_711 = tpu.memref_slice %arg7[%squeeze3A_335, %dma_wait3A_710] : memref<1000000x32xf32, #tpu.memory_space<hbm>> -> memref<1x32xf32, #tpu.memory_space<hbm>>
      %dma_wait3A_712 = arith.constant 9 : i32
      %dma_wait3A_713 = arith.constant 0 : i32
      %dma_wait3A_714 = tpu.memref_slice %arg12[%dma_wait3A_712, %dma_wait3A_713] : memref<16x32xf32, #tpu.memory_space<vmem>> -> memref<1x32xf32, #tpu.memory_space<vmem>>
      %dma_wait3A_715 = arith.constant 0 : i32
      %dma_wait3A_716 = tpu.memref_slice %arg7[%squeeze3A_335, %dma_wait3A_715] : memref<1000000x32xf32, #tpu.memory_space<hbm>> -> memref<1x32xf32, #tpu.memory_space<hbm>>
      tpu.wait_dma2 semaphore(%arg20 : memref<!tpu.dma_semaphore, #tpu.memory_space<semaphore_mem>>) src(%dma_wait3A_716 : memref<1x32xf32, #tpu.memory_space<hbm>>) dst(%dma_wait3A_714 : memref<1x32xf32, #tpu.memory_space<vmem>>)
      %dma_wait3A_717 = arith.constant 10 : i32
      %dma_wait3A_718 = arith.constant 0 : i32
      %dma_wait3A_719 = tpu.memref_slice %arg11[%dma_wait3A_717, %dma_wait3A_718] : memref<16x32xf32, #tpu.memory_space<vmem>> -> memref<1x32xf32, #tpu.memory_space<vmem>>
      %dma_wait3A_720 = arith.constant 0 : i32
      %dma_wait3A_721 = tpu.memref_slice %arg6[%squeeze3A_357, %dma_wait3A_720] : memref<1000000x32xf32, #tpu.memory_space<hbm>> -> memref<1x32xf32, #tpu.memory_space<hbm>>
      %dma_wait3A_722 = arith.constant 10 : i32
      %dma_wait3A_723 = arith.constant 0 : i32
      %dma_wait3A_724 = tpu.memref_slice %arg11[%dma_wait3A_722, %dma_wait3A_723] : memref<16x32xf32, #tpu.memory_space<vmem>> -> memref<1x32xf32, #tpu.memory_space<vmem>>
      %dma_wait3A_725 = arith.constant 0 : i32
      %dma_wait3A_726 = tpu.memref_slice %arg6[%squeeze3A_357, %dma_wait3A_725] : memref<1000000x32xf32, #tpu.memory_space<hbm>> -> memref<1x32xf32, #tpu.memory_space<hbm>>
      tpu.wait_dma2 semaphore(%arg20 : memref<!tpu.dma_semaphore, #tpu.memory_space<semaphore_mem>>) src(%dma_wait3A_726 : memref<1x32xf32, #tpu.memory_space<hbm>>) dst(%dma_wait3A_724 : memref<1x32xf32, #tpu.memory_space<vmem>>)
      %dma_wait3A_727 = arith.constant 10 : i32
      %dma_wait3A_728 = arith.constant 0 : i32
      %dma_wait3A_729 = tpu.memref_slice %arg12[%dma_wait3A_727, %dma_wait3A_728] : memref<16x32xf32, #tpu.memory_space<vmem>> -> memref<1x32xf32, #tpu.memory_space<vmem>>
      %dma_wait3A_730 = arith.constant 0 : i32
      %dma_wait3A_731 = tpu.memref_slice %arg7[%squeeze3A_359, %dma_wait3A_730] : memref<1000000x32xf32, #tpu.memory_space<hbm>> -> memref<1x32xf32, #tpu.memory_space<hbm>>
      %dma_wait3A_732 = arith.constant 10 : i32
      %dma_wait3A_733 = arith.constant 0 : i32
      %dma_wait3A_734 = tpu.memref_slice %arg12[%dma_wait3A_732, %dma_wait3A_733] : memref<16x32xf32, #tpu.memory_space<vmem>> -> memref<1x32xf32, #tpu.memory_space<vmem>>
      %dma_wait3A_735 = arith.constant 0 : i32
      %dma_wait3A_736 = tpu.memref_slice %arg7[%squeeze3A_359, %dma_wait3A_735] : memref<1000000x32xf32, #tpu.memory_space<hbm>> -> memref<1x32xf32, #tpu.memory_space<hbm>>
      tpu.wait_dma2 semaphore(%arg20 : memref<!tpu.dma_semaphore, #tpu.memory_space<semaphore_mem>>) src(%dma_wait3A_736 : memref<1x32xf32, #tpu.memory_space<hbm>>) dst(%dma_wait3A_734 : memref<1x32xf32, #tpu.memory_space<vmem>>)
      %dma_wait3A_737 = arith.constant 11 : i32
      %dma_wait3A_738 = arith.constant 0 : i32
      %dma_wait3A_739 = tpu.memref_slice %arg11[%dma_wait3A_737, %dma_wait3A_738] : memref<16x32xf32, #tpu.memory_space<vmem>> -> memref<1x32xf32, #tpu.memory_space<vmem>>
      %dma_wait3A_740 = arith.constant 0 : i32
      %dma_wait3A_741 = tpu.memref_slice %arg6[%squeeze3A_381, %dma_wait3A_740] : memref<1000000x32xf32, #tpu.memory_space<hbm>> -> memref<1x32xf32, #tpu.memory_space<hbm>>
      %dma_wait3A_742 = arith.constant 11 : i32
      %dma_wait3A_743 = arith.constant 0 : i32
      %dma_wait3A_744 = tpu.memref_slice %arg11[%dma_wait3A_742, %dma_wait3A_743] : memref<16x32xf32, #tpu.memory_space<vmem>> -> memref<1x32xf32, #tpu.memory_space<vmem>>
      %dma_wait3A_745 = arith.constant 0 : i32
      %dma_wait3A_746 = tpu.memref_slice %arg6[%squeeze3A_381, %dma_wait3A_745] : memref<1000000x32xf32, #tpu.memory_space<hbm>> -> memref<1x32xf32, #tpu.memory_space<hbm>>
      tpu.wait_dma2 semaphore(%arg20 : memref<!tpu.dma_semaphore, #tpu.memory_space<semaphore_mem>>) src(%dma_wait3A_746 : memref<1x32xf32, #tpu.memory_space<hbm>>) dst(%dma_wait3A_744 : memref<1x32xf32, #tpu.memory_space<vmem>>)
      %dma_wait3A_747 = arith.constant 11 : i32
      %dma_wait3A_748 = arith.constant 0 : i32
      %dma_wait3A_749 = tpu.memref_slice %arg12[%dma_wait3A_747, %dma_wait3A_748] : memref<16x32xf32, #tpu.memory_space<vmem>> -> memref<1x32xf32, #tpu.memory_space<vmem>>
      %dma_wait3A_750 = arith.constant 0 : i32
      %dma_wait3A_751 = tpu.memref_slice %arg7[%squeeze3A_383, %dma_wait3A_750] : memref<1000000x32xf32, #tpu.memory_space<hbm>> -> memref<1x32xf32, #tpu.memory_space<hbm>>
      %dma_wait3A_752 = arith.constant 11 : i32
      %dma_wait3A_753 = arith.constant 0 : i32
      %dma_wait3A_754 = tpu.memref_slice %arg12[%dma_wait3A_752, %dma_wait3A_753] : memref<16x32xf32, #tpu.memory_space<vmem>> -> memref<1x32xf32, #tpu.memory_space<vmem>>
      %dma_wait3A_755 = arith.constant 0 : i32
      %dma_wait3A_756 = tpu.memref_slice %arg7[%squeeze3A_383, %dma_wait3A_755] : memref<1000000x32xf32, #tpu.memory_space<hbm>> -> memref<1x32xf32, #tpu.memory_space<hbm>>
      tpu.wait_dma2 semaphore(%arg20 : memref<!tpu.dma_semaphore, #tpu.memory_space<semaphore_mem>>) src(%dma_wait3A_756 : memref<1x32xf32, #tpu.memory_space<hbm>>) dst(%dma_wait3A_754 : memref<1x32xf32, #tpu.memory_space<vmem>>)
      %dma_wait3A_757 = arith.constant 12 : i32
      %dma_wait3A_758 = arith.constant 0 : i32
      %dma_wait3A_759 = tpu.memref_slice %arg11[%dma_wait3A_757, %dma_wait3A_758] : memref<16x32xf32, #tpu.memory_space<vmem>> -> memref<1x32xf32, #tpu.memory_space<vmem>>
      %dma_wait3A_760 = arith.constant 0 : i32
      %dma_wait3A_761 = tpu.memref_slice %arg6[%squeeze3A_405, %dma_wait3A_760] : memref<1000000x32xf32, #tpu.memory_space<hbm>> -> memref<1x32xf32, #tpu.memory_space<hbm>>
      %dma_wait3A_762 = arith.constant 12 : i32
      %dma_wait3A_763 = arith.constant 0 : i32
      %dma_wait3A_764 = tpu.memref_slice %arg11[%dma_wait3A_762, %dma_wait3A_763] : memref<16x32xf32, #tpu.memory_space<vmem>> -> memref<1x32xf32, #tpu.memory_space<vmem>>
      %dma_wait3A_765 = arith.constant 0 : i32
      %dma_wait3A_766 = tpu.memref_slice %arg6[%squeeze3A_405, %dma_wait3A_765] : memref<1000000x32xf32, #tpu.memory_space<hbm>> -> memref<1x32xf32, #tpu.memory_space<hbm>>
      tpu.wait_dma2 semaphore(%arg20 : memref<!tpu.dma_semaphore, #tpu.memory_space<semaphore_mem>>) src(%dma_wait3A_766 : memref<1x32xf32, #tpu.memory_space<hbm>>) dst(%dma_wait3A_764 : memref<1x32xf32, #tpu.memory_space<vmem>>)
      %dma_wait3A_767 = arith.constant 12 : i32
      %dma_wait3A_768 = arith.constant 0 : i32
      %dma_wait3A_769 = tpu.memref_slice %arg12[%dma_wait3A_767, %dma_wait3A_768] : memref<16x32xf32, #tpu.memory_space<vmem>> -> memref<1x32xf32, #tpu.memory_space<vmem>>
      %dma_wait3A_770 = arith.constant 0 : i32
      %dma_wait3A_771 = tpu.memref_slice %arg7[%squeeze3A_407, %dma_wait3A_770] : memref<1000000x32xf32, #tpu.memory_space<hbm>> -> memref<1x32xf32, #tpu.memory_space<hbm>>
      %dma_wait3A_772 = arith.constant 12 : i32
      %dma_wait3A_773 = arith.constant 0 : i32
      %dma_wait3A_774 = tpu.memref_slice %arg12[%dma_wait3A_772, %dma_wait3A_773] : memref<16x32xf32, #tpu.memory_space<vmem>> -> memref<1x32xf32, #tpu.memory_space<vmem>>
      %dma_wait3A_775 = arith.constant 0 : i32
      %dma_wait3A_776 = tpu.memref_slice %arg7[%squeeze3A_407, %dma_wait3A_775] : memref<1000000x32xf32, #tpu.memory_space<hbm>> -> memref<1x32xf32, #tpu.memory_space<hbm>>
      tpu.wait_dma2 semaphore(%arg20 : memref<!tpu.dma_semaphore, #tpu.memory_space<semaphore_mem>>) src(%dma_wait3A_776 : memref<1x32xf32, #tpu.memory_space<hbm>>) dst(%dma_wait3A_774 : memref<1x32xf32, #tpu.memory_space<vmem>>)
      %dma_wait3A_777 = arith.constant 13 : i32
      %dma_wait3A_778 = arith.constant 0 : i32
      %dma_wait3A_779 = tpu.memref_slice %arg11[%dma_wait3A_777, %dma_wait3A_778] : memref<16x32xf32, #tpu.memory_space<vmem>> -> memref<1x32xf32, #tpu.memory_space<vmem>>
      %dma_wait3A_780 = arith.constant 0 : i32
      %dma_wait3A_781 = tpu.memref_slice %arg6[%squeeze3A_429, %dma_wait3A_780] : memref<1000000x32xf32, #tpu.memory_space<hbm>> -> memref<1x32xf32, #tpu.memory_space<hbm>>
      %dma_wait3A_782 = arith.constant 13 : i32
      %dma_wait3A_783 = arith.constant 0 : i32
      %dma_wait3A_784 = tpu.memref_slice %arg11[%dma_wait3A_782, %dma_wait3A_783] : memref<16x32xf32, #tpu.memory_space<vmem>> -> memref<1x32xf32, #tpu.memory_space<vmem>>
      %dma_wait3A_785 = arith.constant 0 : i32
      %dma_wait3A_786 = tpu.memref_slice %arg6[%squeeze3A_429, %dma_wait3A_785] : memref<1000000x32xf32, #tpu.memory_space<hbm>> -> memref<1x32xf32, #tpu.memory_space<hbm>>
      tpu.wait_dma2 semaphore(%arg20 : memref<!tpu.dma_semaphore, #tpu.memory_space<semaphore_mem>>) src(%dma_wait3A_786 : memref<1x32xf32, #tpu.memory_space<hbm>>) dst(%dma_wait3A_784 : memref<1x32xf32, #tpu.memory_space<vmem>>)
      %dma_wait3A_787 = arith.constant 13 : i32
      %dma_wait3A_788 = arith.constant 0 : i32
      %dma_wait3A_789 = tpu.memref_slice %arg12[%dma_wait3A_787, %dma_wait3A_788] : memref<16x32xf32, #tpu.memory_space<vmem>> -> memref<1x32xf32, #tpu.memory_space<vmem>>
      %dma_wait3A_790 = arith.constant 0 : i32
      %dma_wait3A_791 = tpu.memref_slice %arg7[%squeeze3A_431, %dma_wait3A_790] : memref<1000000x32xf32, #tpu.memory_space<hbm>> -> memref<1x32xf32, #tpu.memory_space<hbm>>
      %dma_wait3A_792 = arith.constant 13 : i32
      %dma_wait3A_793 = arith.constant 0 : i32
      %dma_wait3A_794 = tpu.memref_slice %arg12[%dma_wait3A_792, %dma_wait3A_793] : memref<16x32xf32, #tpu.memory_space<vmem>> -> memref<1x32xf32, #tpu.memory_space<vmem>>
      %dma_wait3A_795 = arith.constant 0 : i32
      %dma_wait3A_796 = tpu.memref_slice %arg7[%squeeze3A_431, %dma_wait3A_795] : memref<1000000x32xf32, #tpu.memory_space<hbm>> -> memref<1x32xf32, #tpu.memory_space<hbm>>
      tpu.wait_dma2 semaphore(%arg20 : memref<!tpu.dma_semaphore, #tpu.memory_space<semaphore_mem>>) src(%dma_wait3A_796 : memref<1x32xf32, #tpu.memory_space<hbm>>) dst(%dma_wait3A_794 : memref<1x32xf32, #tpu.memory_space<vmem>>)
      %dma_wait3A_797 = arith.constant 14 : i32
      %dma_wait3A_798 = arith.constant 0 : i32
      %dma_wait3A_799 = tpu.memref_slice %arg11[%dma_wait3A_797, %dma_wait3A_798] : memref<16x32xf32, #tpu.memory_space<vmem>> -> memref<1x32xf32, #tpu.memory_space<vmem>>
      %dma_wait3A_800 = arith.constant 0 : i32
      %dma_wait3A_801 = tpu.memref_slice %arg6[%squeeze3A_453, %dma_wait3A_800] : memref<1000000x32xf32, #tpu.memory_space<hbm>> -> memref<1x32xf32, #tpu.memory_space<hbm>>
      %dma_wait3A_802 = arith.constant 14 : i32
      %dma_wait3A_803 = arith.constant 0 : i32
      %dma_wait3A_804 = tpu.memref_slice %arg11[%dma_wait3A_802, %dma_wait3A_803] : memref<16x32xf32, #tpu.memory_space<vmem>> -> memref<1x32xf32, #tpu.memory_space<vmem>>
      %dma_wait3A_805 = arith.constant 0 : i32
      %dma_wait3A_806 = tpu.memref_slice %arg6[%squeeze3A_453, %dma_wait3A_805] : memref<1000000x32xf32, #tpu.memory_space<hbm>> -> memref<1x32xf32, #tpu.memory_space<hbm>>
      tpu.wait_dma2 semaphore(%arg20 : memref<!tpu.dma_semaphore, #tpu.memory_space<semaphore_mem>>) src(%dma_wait3A_806 : memref<1x32xf32, #tpu.memory_space<hbm>>) dst(%dma_wait3A_804 : memref<1x32xf32, #tpu.memory_space<vmem>>)
      %dma_wait3A_807 = arith.constant 14 : i32
      %dma_wait3A_808 = arith.constant 0 : i32
      %dma_wait3A_809 = tpu.memref_slice %arg12[%dma_wait3A_807, %dma_wait3A_808] : memref<16x32xf32, #tpu.memory_space<vmem>> -> memref<1x32xf32, #tpu.memory_space<vmem>>
      %dma_wait3A_810 = arith.constant 0 : i32
      %dma_wait3A_811 = tpu.memref_slice %arg7[%squeeze3A_455, %dma_wait3A_810] : memref<1000000x32xf32, #tpu.memory_space<hbm>> -> memref<1x32xf32, #tpu.memory_space<hbm>>
      %dma_wait3A_812 = arith.constant 14 : i32
      %dma_wait3A_813 = arith.constant 0 : i32
      %dma_wait3A_814 = tpu.memref_slice %arg12[%dma_wait3A_812, %dma_wait3A_813] : memref<16x32xf32, #tpu.memory_space<vmem>> -> memref<1x32xf32, #tpu.memory_space<vmem>>
      %dma_wait3A_815 = arith.constant 0 : i32
      %dma_wait3A_816 = tpu.memref_slice %arg7[%squeeze3A_455, %dma_wait3A_815] : memref<1000000x32xf32, #tpu.memory_space<hbm>> -> memref<1x32xf32, #tpu.memory_space<hbm>>
      tpu.wait_dma2 semaphore(%arg20 : memref<!tpu.dma_semaphore, #tpu.memory_space<semaphore_mem>>) src(%dma_wait3A_816 : memref<1x32xf32, #tpu.memory_space<hbm>>) dst(%dma_wait3A_814 : memref<1x32xf32, #tpu.memory_space<vmem>>)
      %dma_wait3A_817 = arith.constant 15 : i32
      %dma_wait3A_818 = arith.constant 0 : i32
      %dma_wait3A_819 = tpu.memref_slice %arg11[%dma_wait3A_817, %dma_wait3A_818] : memref<16x32xf32, #tpu.memory_space<vmem>> -> memref<1x32xf32, #tpu.memory_space<vmem>>
      %dma_wait3A_820 = arith.constant 0 : i32
      %dma_wait3A_821 = tpu.memref_slice %arg6[%squeeze3A_477, %dma_wait3A_820] : memref<1000000x32xf32, #tpu.memory_space<hbm>> -> memref<1x32xf32, #tpu.memory_space<hbm>>
      %dma_wait3A_822 = arith.constant 15 : i32
      %dma_wait3A_823 = arith.constant 0 : i32
      %dma_wait3A_824 = tpu.memref_slice %arg11[%dma_wait3A_822, %dma_wait3A_823] : memref<16x32xf32, #tpu.memory_space<vmem>> -> memref<1x32xf32, #tpu.memory_space<vmem>>
      %dma_wait3A_825 = arith.constant 0 : i32
      %dma_wait3A_826 = tpu.memref_slice %arg6[%squeeze3A_477, %dma_wait3A_825] : memref<1000000x32xf32, #tpu.memory_space<hbm>> -> memref<1x32xf32, #tpu.memory_space<hbm>>
      tpu.wait_dma2 semaphore(%arg20 : memref<!tpu.dma_semaphore, #tpu.memory_space<semaphore_mem>>) src(%dma_wait3A_826 : memref<1x32xf32, #tpu.memory_space<hbm>>) dst(%dma_wait3A_824 : memref<1x32xf32, #tpu.memory_space<vmem>>)
      %dma_wait3A_827 = arith.constant 15 : i32
      %dma_wait3A_828 = arith.constant 0 : i32
      %dma_wait3A_829 = tpu.memref_slice %arg12[%dma_wait3A_827, %dma_wait3A_828] : memref<16x32xf32, #tpu.memory_space<vmem>> -> memref<1x32xf32, #tpu.memory_space<vmem>>
      %dma_wait3A_830 = arith.constant 0 : i32
      %dma_wait3A_831 = tpu.memref_slice %arg7[%squeeze3A_479, %dma_wait3A_830] : memref<1000000x32xf32, #tpu.memory_space<hbm>> -> memref<1x32xf32, #tpu.memory_space<hbm>>
      %dma_wait3A_832 = arith.constant 15 : i32
      %dma_wait3A_833 = arith.constant 0 : i32
      %dma_wait3A_834 = tpu.memref_slice %arg12[%dma_wait3A_832, %dma_wait3A_833] : memref<16x32xf32, #tpu.memory_space<vmem>> -> memref<1x32xf32, #tpu.memory_space<vmem>>
      %dma_wait3A_835 = arith.constant 0 : i32
      %dma_wait3A_836 = tpu.memref_slice %arg7[%squeeze3A_479, %dma_wait3A_835] : memref<1000000x32xf32, #tpu.memory_space<hbm>> -> memref<1x32xf32, #tpu.memory_space<hbm>>
      tpu.wait_dma2 semaphore(%arg20 : memref<!tpu.dma_semaphore, #tpu.memory_space<semaphore_mem>>) src(%dma_wait3A_836 : memref<1x32xf32, #tpu.memory_space<hbm>>) dst(%dma_wait3A_834 : memref<1x32xf32, #tpu.memory_space<vmem>>)
      %get3A_837 = arith.constant 0 : i32
      %get3A_838 = arith.index_cast %get3A_837 : i32 to index
      %get3A_839 = arith.constant 0 : index
      %get3A_840 = tpu.vector_load %arg11[%get3A_838, %get3A_839] {strides = array<i32>} : memref<16x32xf32, #tpu.memory_space<vmem>>, vector<16xf32>,
      %get3A_841 = arith.constant 0 : i32
      %get3A_842 = arith.index_cast %get3A_841 : i32 to index
      %get3A_843 = arith.constant 16 : index
      %get3A_844 = tpu.vector_load %arg11[%get3A_842, %get3A_843] {strides = array<i32>} : memref<16x32xf32, #tpu.memory_space<vmem>>, vector<16xf32>,
      %get3A_845 = arith.constant 0 : i32
      %get3A_846 = arith.index_cast %get3A_845 : i32 to index
      %get3A_847 = arith.constant 0 : index
      %get3A_848 = tpu.vector_load %arg12[%get3A_846, %get3A_847] {strides = array<i32>} : memref<16x32xf32, #tpu.memory_space<vmem>>, vector<16xf32>,
      %get3A_849 = arith.constant 0 : i32
      %get3A_850 = arith.index_cast %get3A_849 : i32 to index
      %get3A_851 = arith.constant 16 : index
      %get3A_852 = tpu.vector_load %arg12[%get3A_850, %get3A_851] {strides = array<i32>} : memref<16x32xf32, #tpu.memory_space<vmem>>, vector<16xf32>,
      %mul3A_853 = arith.mulf %get3A_840, %get3A_848 : vector<16xf32>
      %mul3A_854 = arith.mulf %get3A_844, %get3A_852 : vector<16xf32>
      %add3A_855 = arith.addf %mul3A_853, %mul3A_854 : vector<16xf32>
      %reduce_sum3A = arith.constant true
      %reduce_sum3A_856 = vector.broadcast %reduce_sum3A : i1 to vector<16xi1>
      %reduce_sum3A_857 = tpu.scan <sum>, %add3A_855 masked %reduce_sum3A_856 : vector<16xf32>, vector<16xi1> -> vector<16xf32>
      %reduce_sum3A_858 = vector.extract %reduce_sum3A_857[15] : f32 from vector<16xf32>
      %slice3A_859 = vector.extract_strided_slice %sub3A {offsets = [0], sizes = [1], strides = [1]} : vector<16xf32> to vector<1xf32>
      %squeeze3A_860 = vector.extract %slice3A_859[0] : f32 from vector<1xf32>
      %add3A_861 = arith.addf %reduce_sum3A_858, %squeeze3A_860 : f32
      %slice3A_862 = vector.extract_strided_slice %get3A_515 {offsets = [0], sizes = [1], strides = [1]} : vector<16xf32> to vector<1xf32>
      %squeeze3A_863 = vector.extract %slice3A_862[0] : f32 from vector<1xf32>
      %mul3A_864 = arith.mulf %squeeze3A_863, %add3A_861 : f32
      %mul3A_865 = arith.mulf %mul3A_864, %add3A_861 : f32
      %add3A_866 = arith.addf %scan3A_110, %mul3A_865 : f32
      %get3A_867 = arith.constant 1 : i32
      %get3A_868 = arith.index_cast %get3A_867 : i32 to index
      %get3A_869 = arith.constant 0 : index
      %get3A_870 = tpu.vector_load %arg11[%get3A_868, %get3A_869] {strides = array<i32>} : memref<16x32xf32, #tpu.memory_space<vmem>>, vector<16xf32>,
      %get3A_871 = arith.constant 1 : i32
      %get3A_872 = arith.index_cast %get3A_871 : i32 to index
      %get3A_873 = arith.constant 16 : index
      %get3A_874 = tpu.vector_load %arg11[%get3A_872, %get3A_873] {strides = array<i32>} : memref<16x32xf32, #tpu.memory_space<vmem>>, vector<16xf32>,
      %get3A_875 = arith.constant 1 : i32
      %get3A_876 = arith.index_cast %get3A_875 : i32 to index
      %get3A_877 = arith.constant 0 : index
      %get3A_878 = tpu.vector_load %arg12[%get3A_876, %get3A_877] {strides = array<i32>} : memref<16x32xf32, #tpu.memory_space<vmem>>, vector<16xf32>,
      %get3A_879 = arith.constant 1 : i32
      %get3A_880 = arith.index_cast %get3A_879 : i32 to index
      %get3A_881 = arith.constant 16 : index
      %get3A_882 = tpu.vector_load %arg12[%get3A_880, %get3A_881] {strides = array<i32>} : memref<16x32xf32, #tpu.memory_space<vmem>>, vector<16xf32>,
      %mul3A_883 = arith.mulf %get3A_870, %get3A_878 : vector<16xf32>
      %mul3A_884 = arith.mulf %get3A_874, %get3A_882 : vector<16xf32>
      %add3A_885 = arith.addf %mul3A_883, %mul3A_884 : vector<16xf32>
      %reduce_sum3A_886 = arith.constant true
      %reduce_sum3A_887 = vector.broadcast %reduce_sum3A_886 : i1 to vector<16xi1>
      %reduce_sum3A_888 = tpu.scan <sum>, %add3A_885 masked %reduce_sum3A_887 : vector<16xf32>, vector<16xi1> -> vector<16xf32>
      %reduce_sum3A_889 = vector.extract %reduce_sum3A_888[15] : f32 from vector<16xf32>
      %slice3A_890 = vector.extract_strided_slice %sub3A {offsets = [1], sizes = [1], strides = [1]} : vector<16xf32> to vector<1xf32>
      %squeeze3A_891 = vector.extract %slice3A_890[0] : f32 from vector<1xf32>
      %add3A_892 = arith.addf %reduce_sum3A_889, %squeeze3A_891 : f32
      %slice3A_893 = vector.extract_strided_slice %get3A_515 {offsets = [1], sizes = [1], strides = [1]} : vector<16xf32> to vector<1xf32>
      %squeeze3A_894 = vector.extract %slice3A_893[0] : f32 from vector<1xf32>
      %mul3A_895 = arith.mulf %squeeze3A_894, %add3A_892 : f32
      %mul3A_896 = arith.mulf %mul3A_895, %add3A_892 : f32
      %add3A_897 = arith.addf %add3A_866, %mul3A_896 : f32
      %get3A_898 = arith.constant 2 : i32
      %get3A_899 = arith.index_cast %get3A_898 : i32 to index
      %get3A_900 = arith.constant 0 : index
      %get3A_901 = tpu.vector_load %arg11[%get3A_899, %get3A_900] {strides = array<i32>} : memref<16x32xf32, #tpu.memory_space<vmem>>, vector<16xf32>,
      %get3A_902 = arith.constant 2 : i32
      %get3A_903 = arith.index_cast %get3A_902 : i32 to index
      %get3A_904 = arith.constant 16 : index
      %get3A_905 = tpu.vector_load %arg11[%get3A_903, %get3A_904] {strides = array<i32>} : memref<16x32xf32, #tpu.memory_space<vmem>>, vector<16xf32>,
      %get3A_906 = arith.constant 2 : i32
      %get3A_907 = arith.index_cast %get3A_906 : i32 to index
      %get3A_908 = arith.constant 0 : index
      %get3A_909 = tpu.vector_load %arg12[%get3A_907, %get3A_908] {strides = array<i32>} : memref<16x32xf32, #tpu.memory_space<vmem>>, vector<16xf32>,
      %get3A_910 = arith.constant 2 : i32
      %get3A_911 = arith.index_cast %get3A_910 : i32 to index
      %get3A_912 = arith.constant 16 : index
      %get3A_913 = tpu.vector_load %arg12[%get3A_911, %get3A_912] {strides = array<i32>} : memref<16x32xf32, #tpu.memory_space<vmem>>, vector<16xf32>,
      %mul3A_914 = arith.mulf %get3A_901, %get3A_909 : vector<16xf32>
      %mul3A_915 = arith.mulf %get3A_905, %get3A_913 : vector<16xf32>
      %add3A_916 = arith.addf %mul3A_914, %mul3A_915 : vector<16xf32>
      %reduce_sum3A_917 = arith.constant true
      %reduce_sum3A_918 = vector.broadcast %reduce_sum3A_917 : i1 to vector<16xi1>
      %reduce_sum3A_919 = tpu.scan <sum>, %add3A_916 masked %reduce_sum3A_918 : vector<16xf32>, vector<16xi1> -> vector<16xf32>
      %reduce_sum3A_920 = vector.extract %reduce_sum3A_919[15] : f32 from vector<16xf32>
      %slice3A_921 = vector.extract_strided_slice %sub3A {offsets = [2], sizes = [1], strides = [1]} : vector<16xf32> to vector<1xf32>
      %squeeze3A_922 = vector.extract %slice3A_921[0] : f32 from vector<1xf32>
      %add3A_923 = arith.addf %reduce_sum3A_920, %squeeze3A_922 : f32
      %slice3A_924 = vector.extract_strided_slice %get3A_515 {offsets = [2], sizes = [1], strides = [1]} : vector<16xf32> to vector<1xf32>
      %squeeze3A_925 = vector.extract %slice3A_924[0] : f32 from vector<1xf32>
      %mul3A_926 = arith.mulf %squeeze3A_925, %add3A_923 : f32
      %mul3A_927 = arith.mulf %mul3A_926, %add3A_923 : f32
      %add3A_928 = arith.addf %add3A_897, %mul3A_927 : f32
      %get3A_929 = arith.constant 3 : i32
      %get3A_930 = arith.index_cast %get3A_929 : i32 to index
      %get3A_931 = arith.constant 0 : index
      %get3A_932 = tpu.vector_load %arg11[%get3A_930, %get3A_931] {strides = array<i32>} : memref<16x32xf32, #tpu.memory_space<vmem>>, vector<16xf32>,
      %get3A_933 = arith.constant 3 : i32
      %get3A_934 = arith.index_cast %get3A_933 : i32 to index
      %get3A_935 = arith.constant 16 : index
      %get3A_936 = tpu.vector_load %arg11[%get3A_934, %get3A_935] {strides = array<i32>} : memref<16x32xf32, #tpu.memory_space<vmem>>, vector<16xf32>,
      %get3A_937 = arith.constant 3 : i32
      %get3A_938 = arith.index_cast %get3A_937 : i32 to index
      %get3A_939 = arith.constant 0 : index
      %get3A_940 = tpu.vector_load %arg12[%get3A_938, %get3A_939] {strides = array<i32>} : memref<16x32xf32, #tpu.memory_space<vmem>>, vector<16xf32>,
      %get3A_941 = arith.constant 3 : i32
      %get3A_942 = arith.index_cast %get3A_941 : i32 to index
      %get3A_943 = arith.constant 16 : index
      %get3A_944 = tpu.vector_load %arg12[%get3A_942, %get3A_943] {strides = array<i32>} : memref<16x32xf32, #tpu.memory_space<vmem>>, vector<16xf32>,
      %mul3A_945 = arith.mulf %get3A_932, %get3A_940 : vector<16xf32>
      %mul3A_946 = arith.mulf %get3A_936, %get3A_944 : vector<16xf32>
      %add3A_947 = arith.addf %mul3A_945, %mul3A_946 : vector<16xf32>
      %reduce_sum3A_948 = arith.constant true
      %reduce_sum3A_949 = vector.broadcast %reduce_sum3A_948 : i1 to vector<16xi1>
      %reduce_sum3A_950 = tpu.scan <sum>, %add3A_947 masked %reduce_sum3A_949 : vector<16xf32>, vector<16xi1> -> vector<16xf32>
      %reduce_sum3A_951 = vector.extract %reduce_sum3A_950[15] : f32 from vector<16xf32>
      %slice3A_952 = vector.extract_strided_slice %sub3A {offsets = [3], sizes = [1], strides = [1]} : vector<16xf32> to vector<1xf32>
      %squeeze3A_953 = vector.extract %slice3A_952[0] : f32 from vector<1xf32>
      %add3A_954 = arith.addf %reduce_sum3A_951, %squeeze3A_953 : f32
      %slice3A_955 = vector.extract_strided_slice %get3A_515 {offsets = [3], sizes = [1], strides = [1]} : vector<16xf32> to vector<1xf32>
      %squeeze3A_956 = vector.extract %slice3A_955[0] : f32 from vector<1xf32>
      %mul3A_957 = arith.mulf %squeeze3A_956, %add3A_954 : f32
      %mul3A_958 = arith.mulf %mul3A_957, %add3A_954 : f32
      %add3A_959 = arith.addf %add3A_928, %mul3A_958 : f32
      %get3A_960 = arith.constant 4 : i32
      %get3A_961 = arith.index_cast %get3A_960 : i32 to index
      %get3A_962 = arith.constant 0 : index
      %get3A_963 = tpu.vector_load %arg11[%get3A_961, %get3A_962] {strides = array<i32>} : memref<16x32xf32, #tpu.memory_space<vmem>>, vector<16xf32>,
      %get3A_964 = arith.constant 4 : i32
      %get3A_965 = arith.index_cast %get3A_964 : i32 to index
      %get3A_966 = arith.constant 16 : index
      %get3A_967 = tpu.vector_load %arg11[%get3A_965, %get3A_966] {strides = array<i32>} : memref<16x32xf32, #tpu.memory_space<vmem>>, vector<16xf32>,
      %get3A_968 = arith.constant 4 : i32
      %get3A_969 = arith.index_cast %get3A_968 : i32 to index
      %get3A_970 = arith.constant 0 : index
      %get3A_971 = tpu.vector_load %arg12[%get3A_969, %get3A_970] {strides = array<i32>} : memref<16x32xf32, #tpu.memory_space<vmem>>, vector<16xf32>,
      %get3A_972 = arith.constant 4 : i32
      %get3A_973 = arith.index_cast %get3A_972 : i32 to index
      %get3A_974 = arith.constant 16 : index
      %get3A_975 = tpu.vector_load %arg12[%get3A_973, %get3A_974] {strides = array<i32>} : memref<16x32xf32, #tpu.memory_space<vmem>>, vector<16xf32>,
      %mul3A_976 = arith.mulf %get3A_963, %get3A_971 : vector<16xf32>
      %mul3A_977 = arith.mulf %get3A_967, %get3A_975 : vector<16xf32>
      %add3A_978 = arith.addf %mul3A_976, %mul3A_977 : vector<16xf32>
      %reduce_sum3A_979 = arith.constant true
      %reduce_sum3A_980 = vector.broadcast %reduce_sum3A_979 : i1 to vector<16xi1>
      %reduce_sum3A_981 = tpu.scan <sum>, %add3A_978 masked %reduce_sum3A_980 : vector<16xf32>, vector<16xi1> -> vector<16xf32>
      %reduce_sum3A_982 = vector.extract %reduce_sum3A_981[15] : f32 from vector<16xf32>
      %slice3A_983 = vector.extract_strided_slice %sub3A {offsets = [4], sizes = [1], strides = [1]} : vector<16xf32> to vector<1xf32>
      %squeeze3A_984 = vector.extract %slice3A_983[0] : f32 from vector<1xf32>
      %add3A_985 = arith.addf %reduce_sum3A_982, %squeeze3A_984 : f32
      %slice3A_986 = vector.extract_strided_slice %get3A_515 {offsets = [4], sizes = [1], strides = [1]} : vector<16xf32> to vector<1xf32>
      %squeeze3A_987 = vector.extract %slice3A_986[0] : f32 from vector<1xf32>
      %mul3A_988 = arith.mulf %squeeze3A_987, %add3A_985 : f32
      %mul3A_989 = arith.mulf %mul3A_988, %add3A_985 : f32
      %add3A_990 = arith.addf %add3A_959, %mul3A_989 : f32
      %get3A_991 = arith.constant 5 : i32
      %get3A_992 = arith.index_cast %get3A_991 : i32 to index
      %get3A_993 = arith.constant 0 : index
      %get3A_994 = tpu.vector_load %arg11[%get3A_992, %get3A_993] {strides = array<i32>} : memref<16x32xf32, #tpu.memory_space<vmem>>, vector<16xf32>,
      %get3A_995 = arith.constant 5 : i32
      %get3A_996 = arith.index_cast %get3A_995 : i32 to index
      %get3A_997 = arith.constant 16 : index
      %get3A_998 = tpu.vector_load %arg11[%get3A_996, %get3A_997] {strides = array<i32>} : memref<16x32xf32, #tpu.memory_space<vmem>>, vector<16xf32>,
      %get3A_999 = arith.constant 5 : i32
      %get3A_1000 = arith.index_cast %get3A_999 : i32 to index
      %get3A_1001 = arith.constant 0 : index
      %get3A_1002 = tpu.vector_load %arg12[%get3A_1000, %get3A_1001] {strides = array<i32>} : memref<16x32xf32, #tpu.memory_space<vmem>>, vector<16xf32>,
      %get3A_1003 = arith.constant 5 : i32
      %get3A_1004 = arith.index_cast %get3A_1003 : i32 to index
      %get3A_1005 = arith.constant 16 : index
      %get3A_1006 = tpu.vector_load %arg12[%get3A_1004, %get3A_1005] {strides = array<i32>} : memref<16x32xf32, #tpu.memory_space<vmem>>, vector<16xf32>,
      %mul3A_1007 = arith.mulf %get3A_994, %get3A_1002 : vector<16xf32>
      %mul3A_1008 = arith.mulf %get3A_998, %get3A_1006 : vector<16xf32>
      %add3A_1009 = arith.addf %mul3A_1007, %mul3A_1008 : vector<16xf32>
      %reduce_sum3A_1010 = arith.constant true
      %reduce_sum3A_1011 = vector.broadcast %reduce_sum3A_1010 : i1 to vector<16xi1>
      %reduce_sum3A_1012 = tpu.scan <sum>, %add3A_1009 masked %reduce_sum3A_1011 : vector<16xf32>, vector<16xi1> -> vector<16xf32>
      %reduce_sum3A_1013 = vector.extract %reduce_sum3A_1012[15] : f32 from vector<16xf32>
      %slice3A_1014 = vector.extract_strided_slice %sub3A {offsets = [5], sizes = [1], strides = [1]} : vector<16xf32> to vector<1xf32>
      %squeeze3A_1015 = vector.extract %slice3A_1014[0] : f32 from vector<1xf32>
      %add3A_1016 = arith.addf %reduce_sum3A_1013, %squeeze3A_1015 : f32
      %slice3A_1017 = vector.extract_strided_slice %get3A_515 {offsets = [5], sizes = [1], strides = [1]} : vector<16xf32> to vector<1xf32>
      %squeeze3A_1018 = vector.extract %slice3A_1017[0] : f32 from vector<1xf32>
      %mul3A_1019 = arith.mulf %squeeze3A_1018, %add3A_1016 : f32
      %mul3A_1020 = arith.mulf %mul3A_1019, %add3A_1016 : f32
      %add3A_1021 = arith.addf %add3A_990, %mul3A_1020 : f32
      %get3A_1022 = arith.constant 6 : i32
      %get3A_1023 = arith.index_cast %get3A_1022 : i32 to index
      %get3A_1024 = arith.constant 0 : index
      %get3A_1025 = tpu.vector_load %arg11[%get3A_1023, %get3A_1024] {strides = array<i32>} : memref<16x32xf32, #tpu.memory_space<vmem>>, vector<16xf32>,
      %get3A_1026 = arith.constant 6 : i32
      %get3A_1027 = arith.index_cast %get3A_1026 : i32 to index
      %get3A_1028 = arith.constant 16 : index
      %get3A_1029 = tpu.vector_load %arg11[%get3A_1027, %get3A_1028] {strides = array<i32>} : memref<16x32xf32, #tpu.memory_space<vmem>>, vector<16xf32>,
      %get3A_1030 = arith.constant 6 : i32
      %get3A_1031 = arith.index_cast %get3A_1030 : i32 to index
      %get3A_1032 = arith.constant 0 : index
      %get3A_1033 = tpu.vector_load %arg12[%get3A_1031, %get3A_1032] {strides = array<i32>} : memref<16x32xf32, #tpu.memory_space<vmem>>, vector<16xf32>,
      %get3A_1034 = arith.constant 6 : i32
      %get3A_1035 = arith.index_cast %get3A_1034 : i32 to index
      %get3A_1036 = arith.constant 16 : index
      %get3A_1037 = tpu.vector_load %arg12[%get3A_1035, %get3A_1036] {strides = array<i32>} : memref<16x32xf32, #tpu.memory_space<vmem>>, vector<16xf32>,
      %mul3A_1038 = arith.mulf %get3A_1025, %get3A_1033 : vector<16xf32>
      %mul3A_1039 = arith.mulf %get3A_1029, %get3A_1037 : vector<16xf32>
      %add3A_1040 = arith.addf %mul3A_1038, %mul3A_1039 : vector<16xf32>
      %reduce_sum3A_1041 = arith.constant true
      %reduce_sum3A_1042 = vector.broadcast %reduce_sum3A_1041 : i1 to vector<16xi1>
      %reduce_sum3A_1043 = tpu.scan <sum>, %add3A_1040 masked %reduce_sum3A_1042 : vector<16xf32>, vector<16xi1> -> vector<16xf32>
      %reduce_sum3A_1044 = vector.extract %reduce_sum3A_1043[15] : f32 from vector<16xf32>
      %slice3A_1045 = vector.extract_strided_slice %sub3A {offsets = [6], sizes = [1], strides = [1]} : vector<16xf32> to vector<1xf32>
      %squeeze3A_1046 = vector.extract %slice3A_1045[0] : f32 from vector<1xf32>
      %add3A_1047 = arith.addf %reduce_sum3A_1044, %squeeze3A_1046 : f32
      %slice3A_1048 = vector.extract_strided_slice %get3A_515 {offsets = [6], sizes = [1], strides = [1]} : vector<16xf32> to vector<1xf32>
      %squeeze3A_1049 = vector.extract %slice3A_1048[0] : f32 from vector<1xf32>
      %mul3A_1050 = arith.mulf %squeeze3A_1049, %add3A_1047 : f32
      %mul3A_1051 = arith.mulf %mul3A_1050, %add3A_1047 : f32
      %add3A_1052 = arith.addf %add3A_1021, %mul3A_1051 : f32
      %get3A_1053 = arith.constant 7 : i32
      %get3A_1054 = arith.index_cast %get3A_1053 : i32 to index
      %get3A_1055 = arith.constant 0 : index
      %get3A_1056 = tpu.vector_load %arg11[%get3A_1054, %get3A_1055] {strides = array<i32>} : memref<16x32xf32, #tpu.memory_space<vmem>>, vector<16xf32>,
      %get3A_1057 = arith.constant 7 : i32
      %get3A_1058 = arith.index_cast %get3A_1057 : i32 to index
      %get3A_1059 = arith.constant 16 : index
      %get3A_1060 = tpu.vector_load %arg11[%get3A_1058, %get3A_1059] {strides = array<i32>} : memref<16x32xf32, #tpu.memory_space<vmem>>, vector<16xf32>,
      %get3A_1061 = arith.constant 7 : i32
      %get3A_1062 = arith.index_cast %get3A_1061 : i32 to index
      %get3A_1063 = arith.constant 0 : index
      %get3A_1064 = tpu.vector_load %arg12[%get3A_1062, %get3A_1063] {strides = array<i32>} : memref<16x32xf32, #tpu.memory_space<vmem>>, vector<16xf32>,
      %get3A_1065 = arith.constant 7 : i32
      %get3A_1066 = arith.index_cast %get3A_1065 : i32 to index
      %get3A_1067 = arith.constant 16 : index
      %get3A_1068 = tpu.vector_load %arg12[%get3A_1066, %get3A_1067] {strides = array<i32>} : memref<16x32xf32, #tpu.memory_space<vmem>>, vector<16xf32>,
      %mul3A_1069 = arith.mulf %get3A_1056, %get3A_1064 : vector<16xf32>
      %mul3A_1070 = arith.mulf %get3A_1060, %get3A_1068 : vector<16xf32>
      %add3A_1071 = arith.addf %mul3A_1069, %mul3A_1070 : vector<16xf32>
      %reduce_sum3A_1072 = arith.constant true
      %reduce_sum3A_1073 = vector.broadcast %reduce_sum3A_1072 : i1 to vector<16xi1>
      %reduce_sum3A_1074 = tpu.scan <sum>, %add3A_1071 masked %reduce_sum3A_1073 : vector<16xf32>, vector<16xi1> -> vector<16xf32>
      %reduce_sum3A_1075 = vector.extract %reduce_sum3A_1074[15] : f32 from vector<16xf32>
      %slice3A_1076 = vector.extract_strided_slice %sub3A {offsets = [7], sizes = [1], strides = [1]} : vector<16xf32> to vector<1xf32>
      %squeeze3A_1077 = vector.extract %slice3A_1076[0] : f32 from vector<1xf32>
      %add3A_1078 = arith.addf %reduce_sum3A_1075, %squeeze3A_1077 : f32
      %slice3A_1079 = vector.extract_strided_slice %get3A_515 {offsets = [7], sizes = [1], strides = [1]} : vector<16xf32> to vector<1xf32>
      %squeeze3A_1080 = vector.extract %slice3A_1079[0] : f32 from vector<1xf32>
      %mul3A_1081 = arith.mulf %squeeze3A_1080, %add3A_1078 : f32
      %mul3A_1082 = arith.mulf %mul3A_1081, %add3A_1078 : f32
      %add3A_1083 = arith.addf %add3A_1052, %mul3A_1082 : f32
      %get3A_1084 = arith.constant 8 : i32
      %get3A_1085 = arith.index_cast %get3A_1084 : i32 to index
      %get3A_1086 = arith.constant 0 : index
      %get3A_1087 = tpu.vector_load %arg11[%get3A_1085, %get3A_1086] {strides = array<i32>} : memref<16x32xf32, #tpu.memory_space<vmem>>, vector<16xf32>,
      %get3A_1088 = arith.constant 8 : i32
      %get3A_1089 = arith.index_cast %get3A_1088 : i32 to index
      %get3A_1090 = arith.constant 16 : index
      %get3A_1091 = tpu.vector_load %arg11[%get3A_1089, %get3A_1090] {strides = array<i32>} : memref<16x32xf32, #tpu.memory_space<vmem>>, vector<16xf32>,
      %get3A_1092 = arith.constant 8 : i32
      %get3A_1093 = arith.index_cast %get3A_1092 : i32 to index
      %get3A_1094 = arith.constant 0 : index
      %get3A_1095 = tpu.vector_load %arg12[%get3A_1093, %get3A_1094] {strides = array<i32>} : memref<16x32xf32, #tpu.memory_space<vmem>>, vector<16xf32>,
      %get3A_1096 = arith.constant 8 : i32
      %get3A_1097 = arith.index_cast %get3A_1096 : i32 to index
      %get3A_1098 = arith.constant 16 : index
      %get3A_1099 = tpu.vector_load %arg12[%get3A_1097, %get3A_1098] {strides = array<i32>} : memref<16x32xf32, #tpu.memory_space<vmem>>, vector<16xf32>,
      %mul3A_1100 = arith.mulf %get3A_1087, %get3A_1095 : vector<16xf32>
      %mul3A_1101 = arith.mulf %get3A_1091, %get3A_1099 : vector<16xf32>
      %add3A_1102 = arith.addf %mul3A_1100, %mul3A_1101 : vector<16xf32>
      %reduce_sum3A_1103 = arith.constant true
      %reduce_sum3A_1104 = vector.broadcast %reduce_sum3A_1103 : i1 to vector<16xi1>
      %reduce_sum3A_1105 = tpu.scan <sum>, %add3A_1102 masked %reduce_sum3A_1104 : vector<16xf32>, vector<16xi1> -> vector<16xf32>
      %reduce_sum3A_1106 = vector.extract %reduce_sum3A_1105[15] : f32 from vector<16xf32>
      %slice3A_1107 = vector.extract_strided_slice %sub3A {offsets = [8], sizes = [1], strides = [1]} : vector<16xf32> to vector<1xf32>
      %squeeze3A_1108 = vector.extract %slice3A_1107[0] : f32 from vector<1xf32>
      %add3A_1109 = arith.addf %reduce_sum3A_1106, %squeeze3A_1108 : f32
      %slice3A_1110 = vector.extract_strided_slice %get3A_515 {offsets = [8], sizes = [1], strides = [1]} : vector<16xf32> to vector<1xf32>
      %squeeze3A_1111 = vector.extract %slice3A_1110[0] : f32 from vector<1xf32>
      %mul3A_1112 = arith.mulf %squeeze3A_1111, %add3A_1109 : f32
      %mul3A_1113 = arith.mulf %mul3A_1112, %add3A_1109 : f32
      %add3A_1114 = arith.addf %add3A_1083, %mul3A_1113 : f32
      %get3A_1115 = arith.constant 9 : i32
      %get3A_1116 = arith.index_cast %get3A_1115 : i32 to index
      %get3A_1117 = arith.constant 0 : index
      %get3A_1118 = tpu.vector_load %arg11[%get3A_1116, %get3A_1117] {strides = array<i32>} : memref<16x32xf32, #tpu.memory_space<vmem>>, vector<16xf32>,
      %get3A_1119 = arith.constant 9 : i32
      %get3A_1120 = arith.index_cast %get3A_1119 : i32 to index
      %get3A_1121 = arith.constant 16 : index
      %get3A_1122 = tpu.vector_load %arg11[%get3A_1120, %get3A_1121] {strides = array<i32>} : memref<16x32xf32, #tpu.memory_space<vmem>>, vector<16xf32>,
      %get3A_1123 = arith.constant 9 : i32
      %get3A_1124 = arith.index_cast %get3A_1123 : i32 to index
      %get3A_1125 = arith.constant 0 : index
      %get3A_1126 = tpu.vector_load %arg12[%get3A_1124, %get3A_1125] {strides = array<i32>} : memref<16x32xf32, #tpu.memory_space<vmem>>, vector<16xf32>,
      %get3A_1127 = arith.constant 9 : i32
      %get3A_1128 = arith.index_cast %get3A_1127 : i32 to index
      %get3A_1129 = arith.constant 16 : index
      %get3A_1130 = tpu.vector_load %arg12[%get3A_1128, %get3A_1129] {strides = array<i32>} : memref<16x32xf32, #tpu.memory_space<vmem>>, vector<16xf32>,
      %mul3A_1131 = arith.mulf %get3A_1118, %get3A_1126 : vector<16xf32>
      %mul3A_1132 = arith.mulf %get3A_1122, %get3A_1130 : vector<16xf32>
      %add3A_1133 = arith.addf %mul3A_1131, %mul3A_1132 : vector<16xf32>
      %reduce_sum3A_1134 = arith.constant true
      %reduce_sum3A_1135 = vector.broadcast %reduce_sum3A_1134 : i1 to vector<16xi1>
      %reduce_sum3A_1136 = tpu.scan <sum>, %add3A_1133 masked %reduce_sum3A_1135 : vector<16xf32>, vector<16xi1> -> vector<16xf32>
      %reduce_sum3A_1137 = vector.extract %reduce_sum3A_1136[15] : f32 from vector<16xf32>
      %slice3A_1138 = vector.extract_strided_slice %sub3A {offsets = [9], sizes = [1], strides = [1]} : vector<16xf32> to vector<1xf32>
      %squeeze3A_1139 = vector.extract %slice3A_1138[0] : f32 from vector<1xf32>
      %add3A_1140 = arith.addf %reduce_sum3A_1137, %squeeze3A_1139 : f32
      %slice3A_1141 = vector.extract_strided_slice %get3A_515 {offsets = [9], sizes = [1], strides = [1]} : vector<16xf32> to vector<1xf32>
      %squeeze3A_1142 = vector.extract %slice3A_1141[0] : f32 from vector<1xf32>
      %mul3A_1143 = arith.mulf %squeeze3A_1142, %add3A_1140 : f32
      %mul3A_1144 = arith.mulf %mul3A_1143, %add3A_1140 : f32
      %add3A_1145 = arith.addf %add3A_1114, %mul3A_1144 : f32
      %get3A_1146 = arith.constant 10 : i32
      %get3A_1147 = arith.index_cast %get3A_1146 : i32 to index
      %get3A_1148 = arith.constant 0 : index
      %get3A_1149 = tpu.vector_load %arg11[%get3A_1147, %get3A_1148] {strides = array<i32>} : memref<16x32xf32, #tpu.memory_space<vmem>>, vector<16xf32>,
      %get3A_1150 = arith.constant 10 : i32
      %get3A_1151 = arith.index_cast %get3A_1150 : i32 to index
      %get3A_1152 = arith.constant 16 : index
      %get3A_1153 = tpu.vector_load %arg11[%get3A_1151, %get3A_1152] {strides = array<i32>} : memref<16x32xf32, #tpu.memory_space<vmem>>, vector<16xf32>,
      %get3A_1154 = arith.constant 10 : i32
      %get3A_1155 = arith.index_cast %get3A_1154 : i32 to index
      %get3A_1156 = arith.constant 0 : index
      %get3A_1157 = tpu.vector_load %arg12[%get3A_1155, %get3A_1156] {strides = array<i32>} : memref<16x32xf32, #tpu.memory_space<vmem>>, vector<16xf32>,
      %get3A_1158 = arith.constant 10 : i32
      %get3A_1159 = arith.index_cast %get3A_1158 : i32 to index
      %get3A_1160 = arith.constant 16 : index
      %get3A_1161 = tpu.vector_load %arg12[%get3A_1159, %get3A_1160] {strides = array<i32>} : memref<16x32xf32, #tpu.memory_space<vmem>>, vector<16xf32>,
      %mul3A_1162 = arith.mulf %get3A_1149, %get3A_1157 : vector<16xf32>
      %mul3A_1163 = arith.mulf %get3A_1153, %get3A_1161 : vector<16xf32>
      %add3A_1164 = arith.addf %mul3A_1162, %mul3A_1163 : vector<16xf32>
      %reduce_sum3A_1165 = arith.constant true
      %reduce_sum3A_1166 = vector.broadcast %reduce_sum3A_1165 : i1 to vector<16xi1>
      %reduce_sum3A_1167 = tpu.scan <sum>, %add3A_1164 masked %reduce_sum3A_1166 : vector<16xf32>, vector<16xi1> -> vector<16xf32>
      %reduce_sum3A_1168 = vector.extract %reduce_sum3A_1167[15] : f32 from vector<16xf32>
      %slice3A_1169 = vector.extract_strided_slice %sub3A {offsets = [10], sizes = [1], strides = [1]} : vector<16xf32> to vector<1xf32>
      %squeeze3A_1170 = vector.extract %slice3A_1169[0] : f32 from vector<1xf32>
      %add3A_1171 = arith.addf %reduce_sum3A_1168, %squeeze3A_1170 : f32
      %slice3A_1172 = vector.extract_strided_slice %get3A_515 {offsets = [10], sizes = [1], strides = [1]} : vector<16xf32> to vector<1xf32>
      %squeeze3A_1173 = vector.extract %slice3A_1172[0] : f32 from vector<1xf32>
      %mul3A_1174 = arith.mulf %squeeze3A_1173, %add3A_1171 : f32
      %mul3A_1175 = arith.mulf %mul3A_1174, %add3A_1171 : f32
      %add3A_1176 = arith.addf %add3A_1145, %mul3A_1175 : f32
      %get3A_1177 = arith.constant 11 : i32
      %get3A_1178 = arith.index_cast %get3A_1177 : i32 to index
      %get3A_1179 = arith.constant 0 : index
      %get3A_1180 = tpu.vector_load %arg11[%get3A_1178, %get3A_1179] {strides = array<i32>} : memref<16x32xf32, #tpu.memory_space<vmem>>, vector<16xf32>,
      %get3A_1181 = arith.constant 11 : i32
      %get3A_1182 = arith.index_cast %get3A_1181 : i32 to index
      %get3A_1183 = arith.constant 16 : index
      %get3A_1184 = tpu.vector_load %arg11[%get3A_1182, %get3A_1183] {strides = array<i32>} : memref<16x32xf32, #tpu.memory_space<vmem>>, vector<16xf32>,
      %get3A_1185 = arith.constant 11 : i32
      %get3A_1186 = arith.index_cast %get3A_1185 : i32 to index
      %get3A_1187 = arith.constant 0 : index
      %get3A_1188 = tpu.vector_load %arg12[%get3A_1186, %get3A_1187] {strides = array<i32>} : memref<16x32xf32, #tpu.memory_space<vmem>>, vector<16xf32>,
      %get3A_1189 = arith.constant 11 : i32
      %get3A_1190 = arith.index_cast %get3A_1189 : i32 to index
      %get3A_1191 = arith.constant 16 : index
      %get3A_1192 = tpu.vector_load %arg12[%get3A_1190, %get3A_1191] {strides = array<i32>} : memref<16x32xf32, #tpu.memory_space<vmem>>, vector<16xf32>,
      %mul3A_1193 = arith.mulf %get3A_1180, %get3A_1188 : vector<16xf32>
      %mul3A_1194 = arith.mulf %get3A_1184, %get3A_1192 : vector<16xf32>
      %add3A_1195 = arith.addf %mul3A_1193, %mul3A_1194 : vector<16xf32>
      %reduce_sum3A_1196 = arith.constant true
      %reduce_sum3A_1197 = vector.broadcast %reduce_sum3A_1196 : i1 to vector<16xi1>
      %reduce_sum3A_1198 = tpu.scan <sum>, %add3A_1195 masked %reduce_sum3A_1197 : vector<16xf32>, vector<16xi1> -> vector<16xf32>
      %reduce_sum3A_1199 = vector.extract %reduce_sum3A_1198[15] : f32 from vector<16xf32>
      %slice3A_1200 = vector.extract_strided_slice %sub3A {offsets = [11], sizes = [1], strides = [1]} : vector<16xf32> to vector<1xf32>
      %squeeze3A_1201 = vector.extract %slice3A_1200[0] : f32 from vector<1xf32>
      %add3A_1202 = arith.addf %reduce_sum3A_1199, %squeeze3A_1201 : f32
      %slice3A_1203 = vector.extract_strided_slice %get3A_515 {offsets = [11], sizes = [1], strides = [1]} : vector<16xf32> to vector<1xf32>
      %squeeze3A_1204 = vector.extract %slice3A_1203[0] : f32 from vector<1xf32>
      %mul3A_1205 = arith.mulf %squeeze3A_1204, %add3A_1202 : f32
      %mul3A_1206 = arith.mulf %mul3A_1205, %add3A_1202 : f32
      %add3A_1207 = arith.addf %add3A_1176, %mul3A_1206 : f32
      %get3A_1208 = arith.constant 12 : i32
      %get3A_1209 = arith.index_cast %get3A_1208 : i32 to index
      %get3A_1210 = arith.constant 0 : index
      %get3A_1211 = tpu.vector_load %arg11[%get3A_1209, %get3A_1210] {strides = array<i32>} : memref<16x32xf32, #tpu.memory_space<vmem>>, vector<16xf32>,
      %get3A_1212 = arith.constant 12 : i32
      %get3A_1213 = arith.index_cast %get3A_1212 : i32 to index
      %get3A_1214 = arith.constant 16 : index
      %get3A_1215 = tpu.vector_load %arg11[%get3A_1213, %get3A_1214] {strides = array<i32>} : memref<16x32xf32, #tpu.memory_space<vmem>>, vector<16xf32>,
      %get3A_1216 = arith.constant 12 : i32
      %get3A_1217 = arith.index_cast %get3A_1216 : i32 to index
      %get3A_1218 = arith.constant 0 : index
      %get3A_1219 = tpu.vector_load %arg12[%get3A_1217, %get3A_1218] {strides = array<i32>} : memref<16x32xf32, #tpu.memory_space<vmem>>, vector<16xf32>,
      %get3A_1220 = arith.constant 12 : i32
      %get3A_1221 = arith.index_cast %get3A_1220 : i32 to index
      %get3A_1222 = arith.constant 16 : index
      %get3A_1223 = tpu.vector_load %arg12[%get3A_1221, %get3A_1222] {strides = array<i32>} : memref<16x32xf32, #tpu.memory_space<vmem>>, vector<16xf32>,
      %mul3A_1224 = arith.mulf %get3A_1211, %get3A_1219 : vector<16xf32>
      %mul3A_1225 = arith.mulf %get3A_1215, %get3A_1223 : vector<16xf32>
      %add3A_1226 = arith.addf %mul3A_1224, %mul3A_1225 : vector<16xf32>
      %reduce_sum3A_1227 = arith.constant true
      %reduce_sum3A_1228 = vector.broadcast %reduce_sum3A_1227 : i1 to vector<16xi1>
      %reduce_sum3A_1229 = tpu.scan <sum>, %add3A_1226 masked %reduce_sum3A_1228 : vector<16xf32>, vector<16xi1> -> vector<16xf32>
      %reduce_sum3A_1230 = vector.extract %reduce_sum3A_1229[15] : f32 from vector<16xf32>
      %slice3A_1231 = vector.extract_strided_slice %sub3A {offsets = [12], sizes = [1], strides = [1]} : vector<16xf32> to vector<1xf32>
      %squeeze3A_1232 = vector.extract %slice3A_1231[0] : f32 from vector<1xf32>
      %add3A_1233 = arith.addf %reduce_sum3A_1230, %squeeze3A_1232 : f32
      %slice3A_1234 = vector.extract_strided_slice %get3A_515 {offsets = [12], sizes = [1], strides = [1]} : vector<16xf32> to vector<1xf32>
      %squeeze3A_1235 = vector.extract %slice3A_1234[0] : f32 from vector<1xf32>
      %mul3A_1236 = arith.mulf %squeeze3A_1235, %add3A_1233 : f32
      %mul3A_1237 = arith.mulf %mul3A_1236, %add3A_1233 : f32
      %add3A_1238 = arith.addf %add3A_1207, %mul3A_1237 : f32
      %get3A_1239 = arith.constant 13 : i32
      %get3A_1240 = arith.index_cast %get3A_1239 : i32 to index
      %get3A_1241 = arith.constant 0 : index
      %get3A_1242 = tpu.vector_load %arg11[%get3A_1240, %get3A_1241] {strides = array<i32>} : memref<16x32xf32, #tpu.memory_space<vmem>>, vector<16xf32>,
      %get3A_1243 = arith.constant 13 : i32
      %get3A_1244 = arith.index_cast %get3A_1243 : i32 to index
      %get3A_1245 = arith.constant 16 : index
      %get3A_1246 = tpu.vector_load %arg11[%get3A_1244, %get3A_1245] {strides = array<i32>} : memref<16x32xf32, #tpu.memory_space<vmem>>, vector<16xf32>,
      %get3A_1247 = arith.constant 13 : i32
      %get3A_1248 = arith.index_cast %get3A_1247 : i32 to index
      %get3A_1249 = arith.constant 0 : index
      %get3A_1250 = tpu.vector_load %arg12[%get3A_1248, %get3A_1249] {strides = array<i32>} : memref<16x32xf32, #tpu.memory_space<vmem>>, vector<16xf32>,
      %get3A_1251 = arith.constant 13 : i32
      %get3A_1252 = arith.index_cast %get3A_1251 : i32 to index
      %get3A_1253 = arith.constant 16 : index
      %get3A_1254 = tpu.vector_load %arg12[%get3A_1252, %get3A_1253] {strides = array<i32>} : memref<16x32xf32, #tpu.memory_space<vmem>>, vector<16xf32>,
      %mul3A_1255 = arith.mulf %get3A_1242, %get3A_1250 : vector<16xf32>
      %mul3A_1256 = arith.mulf %get3A_1246, %get3A_1254 : vector<16xf32>
      %add3A_1257 = arith.addf %mul3A_1255, %mul3A_1256 : vector<16xf32>
      %reduce_sum3A_1258 = arith.constant true
      %reduce_sum3A_1259 = vector.broadcast %reduce_sum3A_1258 : i1 to vector<16xi1>
      %reduce_sum3A_1260 = tpu.scan <sum>, %add3A_1257 masked %reduce_sum3A_1259 : vector<16xf32>, vector<16xi1> -> vector<16xf32>
      %reduce_sum3A_1261 = vector.extract %reduce_sum3A_1260[15] : f32 from vector<16xf32>
      %slice3A_1262 = vector.extract_strided_slice %sub3A {offsets = [13], sizes = [1], strides = [1]} : vector<16xf32> to vector<1xf32>
      %squeeze3A_1263 = vector.extract %slice3A_1262[0] : f32 from vector<1xf32>
      %add3A_1264 = arith.addf %reduce_sum3A_1261, %squeeze3A_1263 : f32
      %slice3A_1265 = vector.extract_strided_slice %get3A_515 {offsets = [13], sizes = [1], strides = [1]} : vector<16xf32> to vector<1xf32>
      %squeeze3A_1266 = vector.extract %slice3A_1265[0] : f32 from vector<1xf32>
      %mul3A_1267 = arith.mulf %squeeze3A_1266, %add3A_1264 : f32
      %mul3A_1268 = arith.mulf %mul3A_1267, %add3A_1264 : f32
      %add3A_1269 = arith.addf %add3A_1238, %mul3A_1268 : f32
      %get3A_1270 = arith.constant 14 : i32
      %get3A_1271 = arith.index_cast %get3A_1270 : i32 to index
      %get3A_1272 = arith.constant 0 : index
      %get3A_1273 = tpu.vector_load %arg11[%get3A_1271, %get3A_1272] {strides = array<i32>} : memref<16x32xf32, #tpu.memory_space<vmem>>, vector<16xf32>,
      %get3A_1274 = arith.constant 14 : i32
      %get3A_1275 = arith.index_cast %get3A_1274 : i32 to index
      %get3A_1276 = arith.constant 16 : index
      %get3A_1277 = tpu.vector_load %arg11[%get3A_1275, %get3A_1276] {strides = array<i32>} : memref<16x32xf32, #tpu.memory_space<vmem>>, vector<16xf32>,
      %get3A_1278 = arith.constant 14 : i32
      %get3A_1279 = arith.index_cast %get3A_1278 : i32 to index
      %get3A_1280 = arith.constant 0 : index
      %get3A_1281 = tpu.vector_load %arg12[%get3A_1279, %get3A_1280] {strides = array<i32>} : memref<16x32xf32, #tpu.memory_space<vmem>>, vector<16xf32>,
      %get3A_1282 = arith.constant 14 : i32
      %get3A_1283 = arith.index_cast %get3A_1282 : i32 to index
      %get3A_1284 = arith.constant 16 : index
      %get3A_1285 = tpu.vector_load %arg12[%get3A_1283, %get3A_1284] {strides = array<i32>} : memref<16x32xf32, #tpu.memory_space<vmem>>, vector<16xf32>,
      %mul3A_1286 = arith.mulf %get3A_1273, %get3A_1281 : vector<16xf32>
      %mul3A_1287 = arith.mulf %get3A_1277, %get3A_1285 : vector<16xf32>
      %add3A_1288 = arith.addf %mul3A_1286, %mul3A_1287 : vector<16xf32>
      %reduce_sum3A_1289 = arith.constant true
      %reduce_sum3A_1290 = vector.broadcast %reduce_sum3A_1289 : i1 to vector<16xi1>
      %reduce_sum3A_1291 = tpu.scan <sum>, %add3A_1288 masked %reduce_sum3A_1290 : vector<16xf32>, vector<16xi1> -> vector<16xf32>
      %reduce_sum3A_1292 = vector.extract %reduce_sum3A_1291[15] : f32 from vector<16xf32>
      %slice3A_1293 = vector.extract_strided_slice %sub3A {offsets = [14], sizes = [1], strides = [1]} : vector<16xf32> to vector<1xf32>
      %squeeze3A_1294 = vector.extract %slice3A_1293[0] : f32 from vector<1xf32>
      %add3A_1295 = arith.addf %reduce_sum3A_1292, %squeeze3A_1294 : f32
      %slice3A_1296 = vector.extract_strided_slice %get3A_515 {offsets = [14], sizes = [1], strides = [1]} : vector<16xf32> to vector<1xf32>
      %squeeze3A_1297 = vector.extract %slice3A_1296[0] : f32 from vector<1xf32>
      %mul3A_1298 = arith.mulf %squeeze3A_1297, %add3A_1295 : f32
      %mul3A_1299 = arith.mulf %mul3A_1298, %add3A_1295 : f32
      %add3A_1300 = arith.addf %add3A_1269, %mul3A_1299 : f32
      %get3A_1301 = arith.constant 15 : i32
      %get3A_1302 = arith.index_cast %get3A_1301 : i32 to index
      %get3A_1303 = arith.constant 0 : index
      %get3A_1304 = tpu.vector_load %arg11[%get3A_1302, %get3A_1303] {strides = array<i32>} : memref<16x32xf32, #tpu.memory_space<vmem>>, vector<16xf32>,
      %get3A_1305 = arith.constant 15 : i32
      %get3A_1306 = arith.index_cast %get3A_1305 : i32 to index
      %get3A_1307 = arith.constant 16 : index
      %get3A_1308 = tpu.vector_load %arg11[%get3A_1306, %get3A_1307] {strides = array<i32>} : memref<16x32xf32, #tpu.memory_space<vmem>>, vector<16xf32>,
      %get3A_1309 = arith.constant 15 : i32
      %get3A_1310 = arith.index_cast %get3A_1309 : i32 to index
      %get3A_1311 = arith.constant 0 : index
      %get3A_1312 = tpu.vector_load %arg12[%get3A_1310, %get3A_1311] {strides = array<i32>} : memref<16x32xf32, #tpu.memory_space<vmem>>, vector<16xf32>,
      %get3A_1313 = arith.constant 15 : i32
      %get3A_1314 = arith.index_cast %get3A_1313 : i32 to index
      %get3A_1315 = arith.constant 16 : index
      %get3A_1316 = tpu.vector_load %arg12[%get3A_1314, %get3A_1315] {strides = array<i32>} : memref<16x32xf32, #tpu.memory_space<vmem>>, vector<16xf32>,
      %mul3A_1317 = arith.mulf %get3A_1304, %get3A_1312 : vector<16xf32>
      %mul3A_1318 = arith.mulf %get3A_1308, %get3A_1316 : vector<16xf32>
      %add3A_1319 = arith.addf %mul3A_1317, %mul3A_1318 : vector<16xf32>
      %reduce_sum3A_1320 = arith.constant true
      %reduce_sum3A_1321 = vector.broadcast %reduce_sum3A_1320 : i1 to vector<16xi1>
      %reduce_sum3A_1322 = tpu.scan <sum>, %add3A_1319 masked %reduce_sum3A_1321 : vector<16xf32>, vector<16xi1> -> vector<16xf32>
      %reduce_sum3A_1323 = vector.extract %reduce_sum3A_1322[15] : f32 from vector<16xf32>
      %slice3A_1324 = vector.extract_strided_slice %sub3A {offsets = [15], sizes = [1], strides = [1]} : vector<16xf32> to vector<1xf32>
      %squeeze3A_1325 = vector.extract %slice3A_1324[0] : f32 from vector<1xf32>
      %add3A_1326 = arith.addf %reduce_sum3A_1323, %squeeze3A_1325 : f32
      %slice3A_1327 = vector.extract_strided_slice %get3A_515 {offsets = [15], sizes = [1], strides = [1]} : vector<16xf32> to vector<1xf32>
      %squeeze3A_1328 = vector.extract %slice3A_1327[0] : f32 from vector<1xf32>
      %mul3A_1329 = arith.mulf %squeeze3A_1328, %add3A_1326 : f32
      %mul3A_1330 = arith.mulf %mul3A_1329, %add3A_1326 : f32
      %add3A_1331 = arith.addf %add3A_1300, %mul3A_1330 : f32
      scf.yield %add3A_1331 : f32
    }
    %scan3A_55 = arith.constant 32 : i32
    %dma_wait3A = arith.constant 0 : i32
    %dma_wait3A_56 = tpu.memref_slice %arg15[%dma_wait3A] : memref<512xf32, #tpu.memory_space<vmem>> -> memref<128xf32, #tpu.memory_space<vmem>>
    %dma_wait3A_57 = arith.constant 0 : i32
    %dma_wait3A_58 = tpu.memref_slice %arg13[%dma_wait3A_57] : memref<512xi32, #tpu.memory_space<vmem>> -> memref<128xi32, #tpu.memory_space<vmem>>
    %dma_wait3A_59 = arith.constant 0 : i32
    %dma_wait3A_60 = tpu.memref_slice %arg8[%dma_wait3A_59] : memref<1000000xf32, #tpu.memory_space<hbm>> -> memref<1000000xf32, #tpu.memory_space<hbm>>
    tpu.wait_indirect_dma semaphore(%arg21 : memref<!tpu.dma_semaphore, #tpu.memory_space<semaphore_mem>>) src(%dma_wait3A_60 : memref<1000000xf32, #tpu.memory_space<hbm>>) dst(%dma_wait3A_56 : memref<128xf32, #tpu.memory_space<vmem>>)
    %dma_wait3A_61 = arith.constant 0 : i32
    %dma_wait3A_62 = tpu.memref_slice %arg16[%dma_wait3A_61] : memref<512xf32, #tpu.memory_space<vmem>> -> memref<128xf32, #tpu.memory_space<vmem>>
    %dma_wait3A_63 = arith.constant 0 : i32
    %dma_wait3A_64 = tpu.memref_slice %arg14[%dma_wait3A_63] : memref<512xi32, #tpu.memory_space<vmem>> -> memref<128xi32, #tpu.memory_space<vmem>>
    %dma_wait3A_65 = arith.constant 0 : i32
    %dma_wait3A_66 = tpu.memref_slice %arg9[%dma_wait3A_65] : memref<1000000xf32, #tpu.memory_space<hbm>> -> memref<1000000xf32, #tpu.memory_space<hbm>>
    tpu.wait_indirect_dma semaphore(%arg21 : memref<!tpu.dma_semaphore, #tpu.memory_space<semaphore_mem>>) src(%dma_wait3A_66 : memref<1000000xf32, #tpu.memory_space<hbm>>) dst(%dma_wait3A_62 : memref<128xf32, #tpu.memory_space<vmem>>)
    %dma_wait3A_67 = arith.constant 128 : i32
    %dma_wait3A_68 = tpu.memref_slice %arg15[%dma_wait3A_67] : memref<512xf32, #tpu.memory_space<vmem>> -> memref<128xf32, #tpu.memory_space<vmem>>
    %dma_wait3A_69 = arith.constant 128 : i32
    %dma_wait3A_70 = tpu.memref_slice %arg13[%dma_wait3A_69] : memref<512xi32, #tpu.memory_space<vmem>> -> memref<128xi32, #tpu.memory_space<vmem>>
    %dma_wait3A_71 = arith.constant 0 : i32
    %dma_wait3A_72 = tpu.memref_slice %arg8[%dma_wait3A_71] : memref<1000000xf32, #tpu.memory_space<hbm>> -> memref<1000000xf32, #tpu.memory_space<hbm>>
    tpu.wait_indirect_dma semaphore(%arg21 : memref<!tpu.dma_semaphore, #tpu.memory_space<semaphore_mem>>) src(%dma_wait3A_72 : memref<1000000xf32, #tpu.memory_space<hbm>>) dst(%dma_wait3A_68 : memref<128xf32, #tpu.memory_space<vmem>>)
    %dma_wait3A_73 = arith.constant 128 : i32
    %dma_wait3A_74 = tpu.memref_slice %arg16[%dma_wait3A_73] : memref<512xf32, #tpu.memory_space<vmem>> -> memref<128xf32, #tpu.memory_space<vmem>>
    %dma_wait3A_75 = arith.constant 128 : i32
    %dma_wait3A_76 = tpu.memref_slice %arg14[%dma_wait3A_75] : memref<512xi32, #tpu.memory_space<vmem>> -> memref<128xi32, #tpu.memory_space<vmem>>
    %dma_wait3A_77 = arith.constant 0 : i32
    %dma_wait3A_78 = tpu.memref_slice %arg9[%dma_wait3A_77] : memref<1000000xf32, #tpu.memory_space<hbm>> -> memref<1000000xf32, #tpu.memory_space<hbm>>
    tpu.wait_indirect_dma semaphore(%arg21 : memref<!tpu.dma_semaphore, #tpu.memory_space<semaphore_mem>>) src(%dma_wait3A_78 : memref<1000000xf32, #tpu.memory_space<hbm>>) dst(%dma_wait3A_74 : memref<128xf32, #tpu.memory_space<vmem>>)
    %dma_wait3A_79 = arith.constant 256 : i32
    %dma_wait3A_80 = tpu.memref_slice %arg15[%dma_wait3A_79] : memref<512xf32, #tpu.memory_space<vmem>> -> memref<128xf32, #tpu.memory_space<vmem>>
    %dma_wait3A_81 = arith.constant 256 : i32
    %dma_wait3A_82 = tpu.memref_slice %arg13[%dma_wait3A_81] : memref<512xi32, #tpu.memory_space<vmem>> -> memref<128xi32, #tpu.memory_space<vmem>>
    %dma_wait3A_83 = arith.constant 0 : i32
    %dma_wait3A_84 = tpu.memref_slice %arg8[%dma_wait3A_83] : memref<1000000xf32, #tpu.memory_space<hbm>> -> memref<1000000xf32, #tpu.memory_space<hbm>>
    tpu.wait_indirect_dma semaphore(%arg21 : memref<!tpu.dma_semaphore, #tpu.memory_space<semaphore_mem>>) src(%dma_wait3A_84 : memref<1000000xf32, #tpu.memory_space<hbm>>) dst(%dma_wait3A_80 : memref<128xf32, #tpu.memory_space<vmem>>)
    %dma_wait3A_85 = arith.constant 256 : i32
    %dma_wait3A_86 = tpu.memref_slice %arg16[%dma_wait3A_85] : memref<512xf32, #tpu.memory_space<vmem>> -> memref<128xf32, #tpu.memory_space<vmem>>
    %dma_wait3A_87 = arith.constant 256 : i32
    %dma_wait3A_88 = tpu.memref_slice %arg14[%dma_wait3A_87] : memref<512xi32, #tpu.memory_space<vmem>> -> memref<128xi32, #tpu.memory_space<vmem>>
    %dma_wait3A_89 = arith.constant 0 : i32
    %dma_wait3A_90 = tpu.memref_slice %arg9[%dma_wait3A_89] : memref<1000000xf32, #tpu.memory_space<hbm>> -> memref<1000000xf32, #tpu.memory_space<hbm>>
    tpu.wait_indirect_dma semaphore(%arg21 : memref<!tpu.dma_semaphore, #tpu.memory_space<semaphore_mem>>) src(%dma_wait3A_90 : memref<1000000xf32, #tpu.memory_space<hbm>>) dst(%dma_wait3A_86 : memref<128xf32, #tpu.memory_space<vmem>>)
    %dma_wait3A_91 = arith.constant 384 : i32
    %dma_wait3A_92 = tpu.memref_slice %arg15[%dma_wait3A_91] : memref<512xf32, #tpu.memory_space<vmem>> -> memref<128xf32, #tpu.memory_space<vmem>>
    %dma_wait3A_93 = arith.constant 384 : i32
    %dma_wait3A_94 = tpu.memref_slice %arg13[%dma_wait3A_93] : memref<512xi32, #tpu.memory_space<vmem>> -> memref<128xi32, #tpu.memory_space<vmem>>
    %dma_wait3A_95 = arith.constant 0 : i32
    %dma_wait3A_96 = tpu.memref_slice %arg8[%dma_wait3A_95] : memref<1000000xf32, #tpu.memory_space<hbm>> -> memref<1000000xf32, #tpu.memory_space<hbm>>
    tpu.wait_indirect_dma semaphore(%arg21 : memref<!tpu.dma_semaphore, #tpu.memory_space<semaphore_mem>>) src(%dma_wait3A_96 : memref<1000000xf32, #tpu.memory_space<hbm>>) dst(%dma_wait3A_92 : memref<128xf32, #tpu.memory_space<vmem>>)
    %dma_wait3A_97 = arith.constant 384 : i32
    %dma_wait3A_98 = tpu.memref_slice %arg16[%dma_wait3A_97] : memref<512xf32, #tpu.memory_space<vmem>> -> memref<128xf32, #tpu.memory_space<vmem>>
    %dma_wait3A_99 = arith.constant 384 : i32
    %dma_wait3A_100 = tpu.memref_slice %arg14[%dma_wait3A_99] : memref<512xi32, #tpu.memory_space<vmem>> -> memref<128xi32, #tpu.memory_space<vmem>>
    %dma_wait3A_101 = arith.constant 0 : i32
    %dma_wait3A_102 = tpu.memref_slice %arg9[%dma_wait3A_101] : memref<1000000xf32, #tpu.memory_space<hbm>> -> memref<1000000xf32, #tpu.memory_space<hbm>>
    tpu.wait_indirect_dma semaphore(%arg21 : memref<!tpu.dma_semaphore, #tpu.memory_space<semaphore_mem>>) src(%dma_wait3A_102 : memref<1000000xf32, #tpu.memory_space<hbm>>) dst(%dma_wait3A_98 : memref<128xf32, #tpu.memory_space<vmem>>)
    %broadcast_in_dim3A = arith.constant 0.000000e+00 : f32
    %broadcast_in_dim3A_103 = vector.broadcast %broadcast_in_dim3A : f32 to vector<16xf32>
    %add3A_104 = vector.broadcast %scan3A_54 : f32 to vector<16xf32>
    %add3A_105 = arith.addf %broadcast_in_dim3A_103, %add3A_104 : vector<16xf32>
    %swap3A = arith.constant 0 : index
    %swap3A_106 = tpu.vector_load %arg19[%swap3A] {strides = array<i32>} : memref<16xf32, #tpu.memory_space<vmem>>, vector<16xf32>,
    tpu.vector_store %arg19[%swap3A], %add3A_105 {strides = array<i32>} : memref<16xf32, #tpu.memory_space<vmem>>, vector<16xf32>,
    %mul3A_107 = arith.constant 16 : i32
    %mul3A_108 = arith.muli %add3A, %mul3A_107 : i32
    "tpu.region"() ({
      %run_scoped3A = tpu.sem_alloc : memref<!tpu.dma_semaphore, #tpu.memory_space<semaphore_mem>>
      %dma_start3A_109 = tpu.memref_slice %arg10[%mul3A_108] : memref<512xf32, #tpu.memory_space<hbm>> -> memref<16xf32, #tpu.memory_space<hbm>>
      %dma_start3A_110 = tpu.memref_slice %arg10[%mul3A_108] : memref<512xf32, #tpu.memory_space<hbm>> -> memref<16xf32, #tpu.memory_space<hbm>>
      tpu.enqueue_dma source(%arg19 : memref<16xf32, #tpu.memory_space<vmem>>) target(%dma_start3A_110 : memref<16xf32, #tpu.memory_space<hbm>>) target_semaphore(%run_scoped3A : memref<!tpu.dma_semaphore, #tpu.memory_space<semaphore_mem>>)
      %dma_wait3A_111 = tpu.memref_slice %arg10[%mul3A_108] : memref<512xf32, #tpu.memory_space<hbm>> -> memref<16xf32, #tpu.memory_space<hbm>>
      %dma_wait3A_112 = tpu.memref_slice %arg10[%mul3A_108] : memref<512xf32, #tpu.memory_space<hbm>> -> memref<16xf32, #tpu.memory_space<hbm>>
      tpu.wait_dma2 semaphore(%run_scoped3A : memref<!tpu.dma_semaphore, #tpu.memory_space<semaphore_mem>>) src(%arg19 : memref<16xf32, #tpu.memory_space<vmem>>) dst(%dma_wait3A_112 : memref<16xf32, #tpu.memory_space<hbm>>)
      tpu.yield
    }) : () -> ()
    return
  }
}

</mosaic_0001>

<sc_bundles>
// kernel: kernel.3.cloned.1.call-start
scs
__scs_entry_jumppad:
0x0: {  	(pc) =	sbr.rel $0x88, $3  }
0x1: {  	(tag) =	ssettag $0x0;
	lr =	simm.s32 $0x1  }
0x2: {  	[smem:$0x3F99] =	sst lr;
	_ =	strace $0xD0000000  }
0x3: {  	_ = 	snop  }
0x4: {  	_ = 	snop  }
0x5: {  	_ = 	snop  }
0x6: {  	_ = 	snop  }
0x7: {  	_ = 	snop  }
__scs_overlays_trampoline_lowered:
0x8: {  	[smem:$0x3FA8] =	sst s0  }
0x9: {  	[smem:$0x3FA9] =	sst s1  }
0xa: {  	[smem:$0x3FAA] =	sst s2  }
0xb: {  	[smem:$0x3FAB] =	sst s3  }
0xc: {  	[smem:$0x3FAC] =	sst s4  }
0xd: {  	[smem:$0x3FAD] =	sst s5  }
0xe: {  	[smem:$0x3FAE] =	sst s6  }
0xf: {  	[smem:$0x3FAF] =	sst s7  }
0x10: {  	[smem:$0x3FB0] =	sst s8  }
0x11: {  	[smem:$0x3FB1] =	sst s9;
	s0 =	simm.s32 @!p0 $0x0  }
0x12: {  	s1 =	sld [smem:$0x3F97];
	s0 =	simm.s32 @p0 $0x1  }
0x13: {  	[smem:$0x3FB2] =	sst s0;
	s0 =	simm.s32 @!p1 $0x0  }
0x14: {  	s2 =	sld [smem:$0x3F96];
	s0 =	simm.s32 @p1 $0x1  }
0x15: {  	[smem:$0x3FB3] =	sst s0;
	s0 =	simm.s32 @!p2 $0x0  }
0x16: {  	s3 =	sld [smem:$0x3FDB];
	s0 =	simm.s32 @p2 $0x1  }
0x17: {  	s4 =	simm.s32 $0x1BF5;
	[smem:$0x3FB5] =	sst s0  }
0x18: {  	s0 =	sld [smem:$0x3F98];
	_ =	swait.ge [sflag:s4], $0x0  }
0x19: {  	s7 =	sld [smem:$0x3F99]  }
0x1a: {  	s8 =	sadd.s32 $0xFFFFE003, lr  }
0x1b: {  	s9 =	sadd.s32 $0xFFFFFEF7, lr;
	s5 =	simm.s32 $0xFFFFFFFF;
	p2 =	slt.u32 s8, $0xFFFFF086  }
0x1c: {  	p1 =	slt.u32 s9, $0xF7A;
	s5 =	simm.s32 @!p2 $0x0  }
0x1d: {  	s5 =	simm.s32 @p1 $0x1;
	p0 =	seq.s32 s7, s2  }
0x1e: {  	s7 =	smul.u32 @!p0 $0xF7A, s2;
	p2 =	seq.s32 @!p0 s5, $0x0  }
0x1f: {  	s9 =	smul.u32 $0xF7A, s1;
	s8 =	simm.s32 @!p0 $0x1BF5;
	p2 =	por !p2, p0  }
0x20: {  	[sflag:s8] =	ssyncset.s32 @!p0 $0xFFFFF086;
	s6 =	sadd.s32 @!p0 s3, s7;
	s7 =	simm.s32 @!p0 $0x108  }
0x21: {  	s3 =	sadd.s32 s3, s9;
	s6 =	sadd.s32 @!p0 $0x88, s6;
	s7 =	simm.s32 @p2 $0x1082  }
0x22: {  	[simem:s7], [sflag:s8] =	dma.local @!p0 [hbm:s6], $0xF7A  }
0x23: {  	s9 =	sor.u32 $0xD0000000, s2;
	s6 =	simm.s32 $0x108;
	_ =	swait.ge @!p0 [sflag:s8], $0x0  }
0x24: {  	s3 =	sadd.s32 $0x88, s3;
	s6 =	simm.s32 @!p1 $0x1082;
	[sflag:s4] =	ssyncset.s32 $0xFFFFF086  }
0x25: {  	[simem:s6], [sflag:s4] =	dma.local [hbm:s3], $0xF7A  }
0x26: {  	[smem:$0x3F99] =	sst s1;
	(tag) =	ssettag s2;
	_ =	strace s9  }
0x27: {  	s1 =	sld [smem:$0x3FA9]  }
0x28: {  	s2 =	sld [smem:$0x3FAA]  }
0x29: {  	s4 =	sld [smem:$0x3FAC]  }
0x2a: {  	p0 =	seq.s32 s5, $0x0;
	s5 =	sld [smem:$0x3FAD]  }
0x2b: {  	s6 =	sld [smem:$0x3FAE]  }
0x2c: {  	s7 =	sld [smem:$0x3FAF]  }
0x2d: {  	s3 =	simm.s32 $0x108;
	s8 =	sld [smem:$0x3FB0]  }
0x2e: {  	s3 =	simm.s32 @!p0 $0x1082;
	s9 =	sld [smem:$0x3FB1]  }
0x2f: {  	lr =	sadd.s32 s0, s3;
	s0 =	sld [smem:$0x3FA8]  }
0x30: {  	s3 =	sld [smem:$0x3FAB]  }
0x31: {  	[smem:$0x3FB4] =	sst s10  }
0x32: {  	s10 =	sld [smem:$0x3FB2];
	_ =	sdelay $0x3  }
0x33: {  	p0 =	seq.s32 s10, $0x1;
	s10 =	sld [smem:$0x3FB4];
	_ =	sdelay $0x3  }
0x34: {  	[smem:$0x3FB4] =	sst s10  }
0x35: {  	s10 =	sld [smem:$0x3FB3];
	_ =	sdelay $0x3  }
0x36: {  	p1 =	seq.s32 s10, $0x1;
	s10 =	sld [smem:$0x3FB4];
	_ =	sdelay $0x3  }
0x37: {  	[smem:$0x3FB4] =	sst s10  }
0x38: {  	s10 =	sld [smem:$0x3FB5]  }
0x39: {  	_ = 	snop;
	(pc) =	sbr.ind lr, $3  }
0x3a: {  	_ = 	snop  }
0x3b: {  	_ = 	snop  }
0x3c: {  	p2 =	seq.s32 s10, $0x1;
	s10 =	sld [smem:$0x3FB4]  }
0x3d: {  	_ =	shalt  }
0x3e: {  	_ =	shalt  }
0x3f: {  	_ =	shalt  }
0x40: {  	_ =	shalt  }
0x41: {  	_ =	shalt  }
0x42: {  	_ =	shalt  }
0x43: {  	_ =	shalt  }
0x44: {  	_ =	shalt  }
0x45: {  	_ =	shalt  }
0x46: {  	_ =	shalt  }
0x47: {  	_ =	shalt  }
0x48: {  	_ =	shalt  }
0x49: {  	_ =	shalt  }
0x4a: {  	_ =	shalt  }
0x4b: {  	_ =	shalt  }
0x4c: {  	_ =	shalt  }
0x4d: {  	_ =	shalt  }
0x4e: {  	_ =	shalt  }
0x4f: {  	_ =	shalt  }
0x50: {  	_ =	shalt  }
0x51: {  	_ =	shalt  }
0x52: {  	_ =	shalt  }
0x53: {  	_ =	shalt  }
0x54: {  	_ =	shalt  }
0x55: {  	_ =	shalt  }
0x56: {  	_ =	shalt  }
0x57: {  	_ =	shalt  }
0x58: {  	_ =	shalt  }
0x59: {  	_ =	shalt  }
0x5a: {  	_ =	shalt  }
0x5b: {  	_ =	shalt  }
0x5c: {  	_ =	shalt  }
0x5d: {  	_ =	shalt  }
0x5e: {  	_ =	shalt  }
0x5f: {  	_ =	shalt  }
0x60: {  	_ =	shalt  }
0x61: {  	_ =	shalt  }
0x62: {  	_ =	shalt  }
0x63: {  	_ =	shalt  }
0x64: {  	_ =	shalt  }
0x65: {  	_ =	shalt  }
0x66: {  	_ =	shalt  }
0x67: {  	_ =	shalt  }
0x68: {  	_ =	shalt  }
0x69: {  	_ =	shalt  }
0x6a: {  	_ =	shalt  }
0x6b: {  	_ =	shalt  }
0x6c: {  	_ =	shalt  }
0x6d: {  	_ =	shalt  }
0x6e: {  	_ =	shalt  }
0x6f: {  	_ =	shalt  }
0x70: {  	_ =	shalt  }
0x71: {  	_ =	shalt  }
0x72: {  	_ =	shalt  }
0x73: {  	_ =	shalt  }
0x74: {  	_ =	shalt  }
0x75: {  	_ =	shalt  }
0x76: {  	_ =	shalt  }
0x77: {  	_ =	shalt  }
0x78: {  	_ =	shalt  }
0x79: {  	_ =	shalt  }
0x7a: {  	_ =	shalt  }
0x7b: {  	_ =	shalt  }
0x7c: {  	_ =	shalt  }
0x7d: {  	_ =	shalt  }
0x7e: {  	_ =	shalt  }
0x7f: {  	_ =	shalt  }
0x80: {  	_ =	shalt  }
0x81: {  	_ =	shalt  }
0x82: {  	_ =	shalt  }
0x83: {  	_ =	shalt  }
0x84: {  	_ =	shalt  }
0x85: {  	_ =	shalt  }
0x86: {  	_ =	shalt  }
0x87: {  	_ =	shalt  }
.Lfunc_end0:
.L_simem_size_0:
called_computation_lowered:
.L_overlay_start_0:
0x88: {  	s2 =	sld [smem:$0x3FD9]  }
0x89: {  	s3 =	sld [smem:$0x3FFE];
	_ =	sdelay $0x1  }
0x8a: {  	s1 =	srdreg.scid  }
0x8b: {  	s0 =	sand.u32 $0x1, s1  }
0x8c: {  	s17 =	sshll.u32 s0, $0xA;
	s2 =	sadd.s32 s3, s2  }
0x8d: {  	s2 =	sadd.s32 s2, s17  }
0x8e: {  	[smem:$0x3FC0] =	sst s2  }
0x8f: {  	_ = 	snop  }
0x90: {  	s2 =	sld [smem:$0x3FC9]  }
0x91: {  	s18 =	sld [smem:$0x3FC8]  }
0x92: {  	s4 =	sld [smem:$0x3FC7]  }
0x93: {  	s5 =	sld [smem:$0x3FC6];
	(tm) =	ssettm $0x1  }
0x94: {  	s6 =	sld [smem:$0x3FFB];
	_ =	sdelay $0x3  }
0x95: {  	_ =	strace s6  }
0x96: {  	s6 =	sld [smem:$0x3FFC];
	_ =	sdelay $0x3  }
0x97: {  	_ =	strace s6  }
0x98: {  	s6 =	sld [smem:$0x3FFD];
	_ =	sdelay $0x3  }
0x99: {  	_ =	strace s6  }
0x9a: {  	_ =	strace $0x8FFFFFFF  }
0x9b: {  	s19 =	sld [smem:$0x3FDB];
	_ =	sdelay $0x1  }
0x9c: {  	s7 =	simm.s32 $_scs_section_size  }
0x9d: {  	s8 =	simm.s32 $_size__tile_overlayer_lowered;
	s9 =	simm.s32 $_tile_overlayer_lowered  }
0x9e: {  	s22 =	simm.s32 $0x1BFF;
	s21 =	sshll.u32 s9, $0x1;
	s6 =	sadd.s32 s7, s19  }
0x9f: {  	s10 =	simm.s32 $0x0;
	s20 =	sshll.u32 s8, $0x1;
	s8 =	sadd.s32 s21, s6  }
0xa0: {  	[timem:s10], [sflag:s22] =	dma.local [hbm:s8], s20  }
0xa1: {  	_ =	swait.ge [sflag:s22], s20  }
0xa2: {  	s7 =	ssub.s32 $0x0, s20;
	[sflag:s22] =	ssyncset.done $0x0  }
0xa3: {  	[sflag:s22] =	ssyncadd.s32 s7;
	_ =	sdelay $0x1  }
0xa4: {  	s23 =	simm.s32 $0x1B8B  }
0xa5: {  	_ =	swait.ge [sflag:s23], $0x1  }
0xa6: {  	[sflag:s23] =	ssyncset.done $0x0  }
0xa7: {  	s25 =	simm.s32 $0x1B8E;
	s24 =	sld [smem:$0x3FFE];
	[sflag:s23] =	ssyncadd.s32 $0xFFFFFFFF  }
0xa8: {  	s26 =	simm.s32 $execute0_lowered;
	[smem:$0x3FD2] =	sst s25  }
0xa9: {  	s8 =	sshll.u32 s26, $0x1;
	_ =	strace $0x80000046;
	[dreg:$0x1] =	wrdreg $0xFFFFFFFF  }
0xaa: {  	s28 =	simm.s32 $_size_execute0_lowered;
	s6 =	sadd.s32 s6, s8;
	[dreg:$0x0] =	wrdreg $0x0  }
0xab: {  	s8 =	sshll.u32 s28, $0x1;
	[dreg:$0x2] =	wrdreg s6  }
0xac: {  	[dreg:$0x3] =	wrdreg s8  }
0xad: {  	[dreg:$0x4] =	wrdreg $0xC0  }
0xae: {  	_ =	task [dreg:s10], $0x5FFFF  }
0xaf: {  	[dreg:$0x1] =	wrdreg $0xFFFFFFFF  }
0xb0: {  	[dreg:$0x0] =	wrdreg $0x60  }
0xb1: {  	[dreg:$0x2] =	wrdreg s2  }
0xb2: {  	[dreg:$0x3] =	wrdreg s18  }
0xb3: {  	[dreg:$0x4] =	wrdreg s4  }
0xb4: {  	[dreg:$0x5] =	wrdreg s5  }
0xb5: {  	[dreg:$0x6] =	wrdreg s24  }
0xb6: {  	[dreg:$0x7] =	wrdreg $0x9  }
0xb7: {  	_ =	task.clear_ibuf [dreg:s10], $0x8FFFF;
	_ =	strace $0x90000046  }
0xb8: {  	s29 =	simm.s32 $0x9;
	_ =	strace $0x80000048  }
0xb9: {  	_ =	swait.ge [sflag:s29], $0x1  }
0xba: {  	[sflag:s29] =	ssyncadd.s32 $0xFFFFFFFF  }
0xbb: {  	_ =	strace $0x90000048  }
0xbc: {  	_ =	sfence  }
0xbd: {  	s30 =	sld [smem:$0x0];
	_ =	sdelay $0x2  }
0xbe: {  	s31 =	sshll.u32 s1, $0xD;
	s1 =	sshrl.u32 s1, $0x2  }
0xbf: {  	s3 =	sand.u32 $0x4000, s31;
	s1 =	sadd.s32 s1, s30  }
0xc0: {  	s0 =	sor.u32 s3, s0;
	s1 =	sshll.u32 s1, $0x11  }
0xc1: {  	s0 =	sor.u32 s1, s0  }
0xc2: {  	s0 =	sadd.s32 $0x8F2B, s0  }
0xc3: {  	[sflag:s0] =	ssyncadd.remote.s32 $0x1  }
0xc4: {  	_ =	sfence.sel $0xFFFF  }
0xc5: {  	[dreg:$0x0] =	wrdreg $0xFFFFFFFF;
	(pc) =	sbr.abs _section_cstart, $3  }
0xc6: {  	[dreg:$0x1] =	wrdreg $0xFFFFFFFF  }
0xc7: {  	_ =	task.clear_ibuf [dreg:s10], $0x2FFFF;
	_ =	strace $0x9FFFFFFF  }
0xc8: {  	(tm) =	ssettm $0x7FFFFFFF  }
0xc9: {  	_ =	shalt  }
tec
execute0_lowered:
.L_overlay_start_1:
0x0: {  	(tag) =	ssettag $0x1  }
0x1: {  	s0 =	rddreg [dreg:$0x0]  }
0x2: {  	s6 =	rddreg [dreg:$0x1]  }
0x3: {  	s9 =	rddreg [dreg:$0x2]  }
0x4: {  	s10 =	rddreg [dreg:$0x3]  }
0x5: {  	s1 =	rddreg [dreg:$0x4];
	s2 =	simm.s32 $0x0  }
0x6: {  	s5 =	simm.s32 $0x800;
	[smem:$0x7FF] =	sst s2  }
0x7: {  	s7 =	simm.s32 $0x880;
	_ =	strace $0x80000047;
	[dreg:$0x6] =	wrdreg s5  }
0x8: {  	s16 =	simm.s32 $0x100;
	[dreg:$0x7] =	wrdreg s7  }
0x9: {  	s17 =	simm.s32 $0x900;
	[dreg:$0x8] =	wrdreg s16  }
0xa: {  	s18 =	simm.s32 $0x180;
	[dreg:$0x9] =	wrdreg s17  }
0xb: {  	s19 =	simm.s32 $0x980;
	[dreg:$0xa] =	wrdreg s18  }
0xc: {  	s20 =	simm.s32 $0x200;
	[dreg:$0xb] =	wrdreg s19  }
0xd: {  	s21 =	simm.s32 $0xA00;
	[dreg:$0xc] =	wrdreg s20  }
0xe: {  	s22 =	simm.s32 $0x280;
	[dreg:$0xd] =	wrdreg s21  }
0xf: {  	s23 =	simm.s32 $0xA80;
	[dreg:$0xe] =	wrdreg s22  }
0x10: {  	s24 =	simm.s32 $0x300;
	[dreg:$0xf] =	wrdreg s23  }
0x11: {  	s25 =	simm.s32 $0xB00;
	[dreg:$0x10] =	wrdreg s24  }
0x12: {  	s26 =	simm.s32 $0x380;
	[dreg:$0x11] =	wrdreg s25  }
0x13: {  	s28 =	simm.s32 $0xB80;
	[dreg:$0x12] =	wrdreg s26  }
0x14: {  	s29 =	simm.s32 $0x400;
	[dreg:$0x13] =	wrdreg s28  }
0x15: {  	s8 =	srdreg.scid;
	s14 =	simm.s32 $0xC00;
	[dreg:$0x14] =	wrdreg s29  }
0x16: {  	s11 =	stileid.u32;
	s15 =	simm.s32 $0x480;
	[dreg:$0x15] =	wrdreg s14  }
0x17: {  	s30 =	simm.s32 $0x1380;
	[dreg:$0x16] =	wrdreg s15;
	s16 =	simm.s32 $0xC80  }
0x18: {  	s31 =	simm.s32 $0x1780;
	s17 =	simm.s32 $0x500;
	[dreg:$0x17] =	wrdreg s16  }
0x19: {  	s3 =	sadd.s32 $0x3D400, s1;
	s18 =	simm.s32 $0xD00;
	[dreg:$0x18] =	wrdreg s17  }
0x1a: {  	s4 =	sadd.s32 $0xF7F800, s1;
	s19 =	simm.s32 $0x580;
	[dreg:$0x19] =	wrdreg s18  }
0x1b: {  	s8 =	sand.u32 $0x1, s8;
	s20 =	simm.s32 $0xD80;
	[dreg:$0x1a] =	wrdreg s19  }
0x1c: {  	s11 =	sshll.u32 s11, $0x1;
	s21 =	simm.s32 $0x600;
	[dreg:$0x1b] =	wrdreg s20  }
0x1d: {  	s5 =	sadd.s32 $0x1EA00, s1;
	s22 =	simm.s32 $0xE00;
	[dreg:$0x1c] =	wrdreg s21  }
0x1e: {  	s11 =	sor.u32 s8, s11;
	s23 =	simm.s32 $0x680;
	[dreg:$0x1d] =	wrdreg s22  }
0x1f: {  	s8 =	ssub.s32 $0x2, s8;
	s24 =	simm.s32 $0xE80;
	[dreg:$0x1e] =	wrdreg s23  }
0x20: {  	s14 =	simm.s32 $0x3;
	s25 =	simm.s32 $0x700;
	[dreg:$0x1f] =	wrdreg s24  }
0x21: {  	s15 =	simm.s32 $0x1200;
	s26 =	simm.s32 $0xF00;
	[smem:$0x7FA] =	sst s25  }
0x22: {  	s28 =	simm.s32 $0x780;
	s29 =	simm.s32 $0xF80;
	[smem:$0x7FB] =	sst s26  }
0x23: {  	s12 =	sshll.u32 s11, $0x1;
	s13 =	sshrl.u32 s8, $0x1;
	[smem:$0x7FC] =	sst s28  }
0x24: {  	s11 =	sshll.u32 s11, $0x6;
	s16 =	simm.s32 $0x80;
	[smem:$0x7FD] =	sst s29  }
0x25: {  	s17 =	simm.s32 $0x1;
	s18 =	simm.s32 $0x2;
	s19 =	simm.s32 $0x1C00  }
0x26: {  	s20 =	simm.s32 $0x0;
	s12 =	sadd.s32 s12, s1;
	s13 =	ssub.s32 s8, s13  }
0x27: {  	s7 =	sadd.s32 s0, s11;
	s8 =	sadd.s32 s6, s11;
	s9 =	sadd.s32 s9, s11  }
0x28: {  	s10 =	sadd.s32 s10, s11;
	s0 =	simm.s32 $0x1800;
	s6 =	simm.s32 $0x1A00  }
0x29: {  	s11 =	sadd.s32 $0x1EC1C00, s12;
	s12 =	smax.u32 s13, $0x1;
	s13 =	simm.s32 $0x1000  }
.LBB2_1:
0x2a: {  	[tilespmem:s13], [sflag:$0x3] =	stream.linear.gather [hbm4b:s7+s2], $0x200, $0x38;
	[tilespmem:$0x1C80] =	vst v63  }
0x2b: {  	_ =	swait.ge [sflag:s14], $0x200  }
0x2c: {  	[sflag:s14] =	ssyncset.done $0x0  }
0x2d: {  	[sflag:s14] =	ssyncadd.s32 $0xFFFFFE00  }
0x2e: {  	[tilespmem:s15], [sflag:$0x3] =	stream.linear.gather [hbm4b:s8+s2], $0x200, $0x38;
	[tilespmem:$0x1C80] =	vst v63  }
0x2f: {  	_ =	swait.ge [sflag:s14], $0x200  }
0x30: {  	[sflag:s14] =	ssyncset.done $0x0  }
0x31: {  	s21 =	simm.s32 $0x1400;
	[sflag:s14] =	ssyncadd.s32 $0xFFFFFE00  }
0x32: {  	[tilespmem:s21], [sflag:$0x2] =	stream.indirect.gather [hbm4b:s1+s16], $0x1, s13, s16, $0xb8;
	[tilespmem:$0x1C80] =	vst v63  }
0x33: {  	s25 =	simm.s32 $0x1600  }
0x34: {  	[tilespmem:s25], [sflag:$0x2] =	stream.indirect.gather [hbm4b:s5+s16], $0x1, s15, s16, $0xb8;
	[tilespmem:$0x1C80] =	vst v63  }
0x35: {  	s26 =	simm.s32 $0x1080;
	s22 =	simm.s32 $0x1480  }
0x36: {  	[tilespmem:s22], [sflag:$0x2] =	stream.indirect.gather [hbm4b:s1+s16], $0x1, s26, s16, $0xb8;
	[tilespmem:$0x1C80] =	vst v63  }
0x37: {  	s28 =	simm.s32 $0x1280;
	s29 =	simm.s32 $0x1680  }
0x38: {  	[tilespmem:s29], [sflag:$0x2] =	stream.indirect.gather [hbm4b:s5+s16], $0x1, s28, s16, $0xb8;
	[tilespmem:$0x1C80] =	vst v63  }
0x39: {  	s23 =	simm.s32 $0x1100;
	s24 =	simm.s32 $0x1500  }
0x3a: {  	[tilespmem:s24], [sflag:$0x2] =	stream.indirect.gather [hbm4b:s1+s16], $0x1, s23, s16, $0xb8;
	[tilespmem:$0x1C80] =	vst v63  }
0x3b: {  	s25 =	simm.s32 $0x1300;
	s26 =	simm.s32 $0x1700  }
0x3c: {  	[tilespmem:s26], [sflag:$0x2] =	stream.indirect.gather [hbm4b:s5+s16], $0x1, s25, s16, $0xb8;
	[tilespmem:$0x1C80] =	vst v63  }
0x3d: {  	s28 =	simm.s32 $0x1180;
	s29 =	simm.s32 $0x1580  }
0x3e: {  	[tilespmem:s29], [sflag:$0x2] =	stream.indirect.gather [hbm4b:s1+s16], $0x1, s28, s16, $0xb8;
	[tilespmem:$0x1C80] =	vst v63  }
0x3f: {  	_ = 	snop  }
0x40: {  	[tilespmem:s31], [sflag:$0x2] =	stream.indirect.gather [hbm4b:s5+s16], $0x1, s30, s16, $0xb8;
	[tilespmem:$0x1C80] =	vst v63  }
0x41: {  	_ = 	snop  }
0x42: {  	[tilespmem:s0], [sflag:$0x3] =	stream.linear.gather [hbm4b:s9+s2], $0x200, $0x38;
	[tilespmem:$0x1C80] =	vst v63  }
0x43: {  	_ =	swait.ge [sflag:s14], $0x200  }
0x44: {  	[sflag:s14] =	ssyncset.done $0x0  }
0x45: {  	[sflag:s14] =	ssyncadd.s32 $0xFFFFFE00  }
0x46: {  	[tilespmem:s6], [sflag:$0x3] =	stream.linear.gather [hbm4b:s10+s2], $0x200, $0x38;
	[tilespmem:$0x1C80] =	vst v63  }
0x47: {  	_ =	swait.ge [sflag:s14], $0x200  }
0x48: {  	[sflag:s14] =	ssyncset.done $0x0  }
0x49: {  	s21 =	simm.s32 $0x0;
	s22 =	simm.f32 $0.0e+00;
	[sflag:s14] =	ssyncadd.s32 $0xFFFFFE00  }
.LBB2_2:
0x4a: {  	s23 =	sshra.s32 s21, $0x2  }
0x4b: {  	v0 =	vld [tilespmem:s23+$0x1000];
	_ =	sdelay $0x1  }
0x4c: {  	v2 =	vld [tilespmem:s23+$0x1200];
	_ =	sdelay $0x2  }
0x4d: {  	v1 =	vshll.u32 v0, $0x4  }
0x4e: {  	(v2sf) =	vpush v1, $0x0  }
0x4f: {  	v32 =	vshll.u32 v2, $0x4  }
0x50: {  	(v2sf) =	vpush v32, $0x0;
	_ =	sdelay $0x2  }
0x51: {  	(v2sf) =	vpush v1, $0x1;
	_ =	sdelay $0x2  }
0x52: {  	(v2sf) =	vpush v32, $0x1;
	_ =	sdelay $0x2  }
0x53: {  	(v2sf) =	vpush v1, $0x2;
	_ =	sdelay $0x2  }
0x54: {  	(v2sf) =	vpush v32, $0x2  }
0x55: {  	s24 =	spop (v2sf)  }
0x56: {  	s24 =	sand.u32 $0x1FFFFFF0, s24  }
0x57: {  	(v2sf) =	vpush v1, $0x3;
	s29 =	spop (v2sf);
	s24 =	sadd.s32 s3, s24  }
0x58: {  	[tilespmem:s2], [sflag:$0x1] =	stream.linear.gather [hbm4b:s24+s2], $0x80, $0x38;
	[tilespmem:$0x1C80] =	vst v63  }
0x59: {  	s24 =	sand.u32 $0x1FFFFFF0, s29  }
0x5a: {  	s25 =	rddreg [dreg:$0x6];
	(v2sf) =	vpush v32, $0x3;
	s26 =	spop (v2sf);
	s24 =	sadd.s32 s4, s24  }
0x5b: {  	[tilespmem:s25], [sflag:$0x1] =	stream.linear.gather [hbm4b:s24+s2], $0x80, $0x38;
	[tilespmem:$0x1C80] =	vst v63  }
0x5c: {  	s24 =	sand.u32 $0x1FFFFFF0, s26  }
0x5d: {  	(v2sf) =	vpush v1, $0x4;
	s28 =	spop (v2sf);
	s24 =	sadd.s32 s3, s24  }
0x5e: {  	[tilespmem:s16], [sflag:$0x1] =	stream.linear.gather [hbm4b:s24+s2], $0x80, $0x38;
	[tilespmem:$0x1C80] =	vst v63  }
0x5f: {  	s24 =	sand.u32 $0x1FFFFFF0, s28  }
0x60: {  	(v2sf) =	vpush v32, $0x4;
	s29 =	rddreg [dreg:$0x7];
	s25 =	spop (v2sf);
	s24 =	sadd.s32 s4, s24  }
0x61: {  	[tilespmem:s29], [sflag:$0x1] =	stream.linear.gather [hbm4b:s24+s2], $0x80, $0x38;
	[tilespmem:$0x1C80] =	vst v63  }
0x62: {  	s24 =	sand.u32 $0x1FFFFFF0, s25  }
0x63: {  	(v2sf) =	vpush v1, $0x5;
	s26 =	rddreg [dreg:$0x8];
	s28 =	spop (v2sf);
	s24 =	sadd.s32 s3, s24  }
0x64: {  	[tilespmem:s26], [sflag:$0x1] =	stream.linear.gather [hbm4b:s24+s2], $0x80, $0x38;
	[tilespmem:$0x1C80] =	vst v63  }
0x65: {  	s24 =	sand.u32 $0x1FFFFFF0, s28  }
0x66: {  	(v2sf) =	vpush v32, $0x5;
	s29 =	rddreg [dreg:$0x9];
	s25 =	spop (v2sf);
	s24 =	sadd.s32 s4, s24  }
0x67: {  	[tilespmem:s29], [sflag:$0x1] =	stream.linear.gather [hbm4b:s24+s2], $0x80, $0x38;
	[tilespmem:$0x1C80] =	vst v63  }
0x68: {  	s24 =	sand.u32 $0x1FFFFFF0, s25  }
0x69: {  	(v2sf) =	vpush v1, $0x6;
	s26 =	rddreg [dreg:$0xa];
	s28 =	spop (v2sf);
	s24 =	sadd.s32 s3, s24  }
0x6a: {  	[tilespmem:s26], [sflag:$0x1] =	stream.linear.gather [hbm4b:s24+s2], $0x80, $0x38;
	[tilespmem:$0x1C80] =	vst v63  }
0x6b: {  	s24 =	sand.u32 $0x1FFFFFF0, s28  }
0x6c: {  	(v2sf) =	vpush v32, $0x6;
	s29 =	rddreg [dreg:$0xb];
	s25 =	spop (v2sf);
	s24 =	sadd.s32 s4, s24  }
0x6d: {  	[tilespmem:s29], [sflag:$0x1] =	stream.linear.gather [hbm4b:s24+s2], $0x80, $0x38;
	[tilespmem:$0x1C80] =	vst v63  }
0x6e: {  	s24 =	sand.u32 $0x1FFFFFF0, s25  }
0x6f: {  	(v2sf) =	vpush v1, $0x7;
	s26 =	rddreg [dreg:$0xc];
	s28 =	spop (v2sf);
	s24 =	sadd.s32 s3, s24  }
0x70: {  	[tilespmem:s26], [sflag:$0x1] =	stream.linear.gather [hbm4b:s24+s2], $0x80, $0x38;
	[tilespmem:$0x1C80] =	vst v63  }
0x71: {  	s24 =	sand.u32 $0x1FFFFFF0, s28  }
0x72: {  	(v2sf) =	vpush v32, $0x7;
	s29 =	rddreg [dreg:$0xd];
	s25 =	spop (v2sf);
	s24 =	sadd.s32 s4, s24  }
0x73: {  	[tilespmem:s29], [sflag:$0x1] =	stream.linear.gather [hbm4b:s24+s2], $0x80, $0x38;
	[tilespmem:$0x1C80] =	vst v63  }
0x74: {  	s24 =	sand.u32 $0x1FFFFFF0, s25  }
0x75: {  	(v2sf) =	vpush v1, $0x8;
	s26 =	rddreg [dreg:$0xe];
	s28 =	spop (v2sf);
	s24 =	sadd.s32 s3, s24  }
0x76: {  	[tilespmem:s26], [sflag:$0x1] =	stream.linear.gather [hbm4b:s24+s2], $0x80, $0x38;
	[tilespmem:$0x1C80] =	vst v63  }
0x77: {  	s24 =	sand.u32 $0x1FFFFFF0, s28  }
0x78: {  	(v2sf) =	vpush v32, $0x8;
	s29 =	rddreg [dreg:$0xf];
	s25 =	spop (v2sf);
	s24 =	sadd.s32 s4, s24  }
0x79: {  	[tilespmem:s29], [sflag:$0x1] =	stream.linear.gather [hbm4b:s24+s2], $0x80, $0x38;
	[tilespmem:$0x1C80] =	vst v63  }
0x7a: {  	s24 =	sand.u32 $0x1FFFFFF0, s25  }
0x7b: {  	(v2sf) =	vpush v1, $0x9;
	s26 =	rddreg [dreg:$0x10];
	s28 =	spop (v2sf);
	s24 =	sadd.s32 s3, s24  }
0x7c: {  	[tilespmem:s26], [sflag:$0x1] =	stream.linear.gather [hbm4b:s24+s2], $0x80, $0x38;
	[tilespmem:$0x1C80] =	vst v63  }
0x7d: {  	s24 =	sand.u32 $0x1FFFFFF0, s28  }
0x7e: {  	(v2sf) =	vpush v32, $0x9;
	s29 =	rddreg [dreg:$0x11];
	s25 =	spop (v2sf);
	s24 =	sadd.s32 s4, s24  }
0x7f: {  	[tilespmem:s29], [sflag:$0x1] =	stream.linear.gather [hbm4b:s24+s2], $0x80, $0x38;
	[tilespmem:$0x1C80] =	vst v63  }
0x80: {  	s24 =	sand.u32 $0x1FFFFFF0, s25  }
0x81: {  	(v2sf) =	vpush v1, $0xA;
	s26 =	rddreg [dreg:$0x12];
	s28 =	spop (v2sf);
	s24 =	sadd.s32 s3, s24  }
0x82: {  	[tilespmem:s26], [sflag:$0x1] =	stream.linear.gather [hbm4b:s24+s2], $0x80, $0x38;
	[tilespmem:$0x1C80] =	vst v63  }
0x83: {  	s24 =	sand.u32 $0x1FFFFFF0, s28  }
0x84: {  	(v2sf) =	vpush v32, $0xA;
	s29 =	rddreg [dreg:$0x13];
	s25 =	spop (v2sf);
	s24 =	sadd.s32 s4, s24  }
0x85: {  	[tilespmem:s29], [sflag:$0x1] =	stream.linear.gather [hbm4b:s24+s2], $0x80, $0x38;
	[tilespmem:$0x1C80] =	vst v63  }
0x86: {  	s24 =	sand.u32 $0x1FFFFFF0, s25  }
0x87: {  	(v2sf) =	vpush v1, $0xB;
	s26 =	rddreg [dreg:$0x14];
	s28 =	spop (v2sf);
	s24 =	sadd.s32 s3, s24  }
0x88: {  	[tilespmem:s26], [sflag:$0x1] =	stream.linear.gather [hbm4b:s24+s2], $0x80, $0x38;
	[tilespmem:$0x1C80] =	vst v63  }
0x89: {  	s24 =	sand.u32 $0x1FFFFFF0, s28  }
0x8a: {  	(v2sf) =	vpush v32, $0xB;
	s29 =	rddreg [dreg:$0x15];
	s25 =	spop (v2sf);
	s24 =	sadd.s32 s4, s24  }
0x8b: {  	[tilespmem:s29], [sflag:$0x1] =	stream.linear.gather [hbm4b:s24+s2], $0x80, $0x38;
	[tilespmem:$0x1C80] =	vst v63  }
0x8c: {  	s24 =	sand.u32 $0x1FFFFFF0, s25  }
0x8d: {  	(v2sf) =	vpush v1, $0xC;
	s26 =	rddreg [dreg:$0x16];
	s28 =	spop (v2sf);
	s24 =	sadd.s32 s3, s24  }
0x8e: {  	[tilespmem:s26], [sflag:$0x1] =	stream.linear.gather [hbm4b:s24+s2], $0x80, $0x38;
	[tilespmem:$0x1C80] =	vst v63  }
0x8f: {  	s24 =	sand.u32 $0x1FFFFFF0, s28  }
0x90: {  	(v2sf) =	vpush v32, $0xC;
	s29 =	rddreg [dreg:$0x17];
	s25 =	spop (v2sf);
	s24 =	sadd.s32 s4, s24  }
0x91: {  	[tilespmem:s29], [sflag:$0x1] =	stream.linear.gather [hbm4b:s24+s2], $0x80, $0x38;
	[tilespmem:$0x1C80] =	vst v63  }
0x92: {  	s24 =	sand.u32 $0x1FFFFFF0, s25  }
0x93: {  	(v2sf) =	vpush v1, $0xD;
	s26 =	rddreg [dreg:$0x18];
	s28 =	spop (v2sf);
	s24 =	sadd.s32 s3, s24  }
0x94: {  	[tilespmem:s26], [sflag:$0x1] =	stream.linear.gather [hbm4b:s24+s2], $0x80, $0x38;
	[tilespmem:$0x1C80] =	vst v63  }
0x95: {  	s24 =	sand.u32 $0x1FFFFFF0, s28  }
0x96: {  	(v2sf) =	vpush v32, $0xD;
	s29 =	rddreg [dreg:$0x19];
	s25 =	spop (v2sf);
	s24 =	sadd.s32 s4, s24  }
0x97: {  	[tilespmem:s29], [sflag:$0x1] =	stream.linear.gather [hbm4b:s24+s2], $0x80, $0x38;
	[tilespmem:$0x1C80] =	vst v63  }
0x98: {  	s24 =	sand.u32 $0x1FFFFFF0, s25  }
0x99: {  	(v2sf) =	vpush v1, $0xE;
	s26 =	rddreg [dreg:$0x1a];
	s28 =	spop (v2sf);
	s24 =	sadd.s32 s3, s24  }
0x9a: {  	[tilespmem:s26], [sflag:$0x1] =	stream.linear.gather [hbm4b:s24+s2], $0x80, $0x38;
	[tilespmem:$0x1C80] =	vst v63  }
0x9b: {  	s24 =	sand.u32 $0x1FFFFFF0, s28  }
0x9c: {  	(v2sf) =	vpush v32, $0xE;
	s29 =	rddreg [dreg:$0x1b];
	s25 =	spop (v2sf);
	s24 =	sadd.s32 s4, s24  }
0x9d: {  	[tilespmem:s29], [sflag:$0x1] =	stream.linear.gather [hbm4b:s24+s2], $0x80, $0x38;
	[tilespmem:$0x1C80] =	vst v63  }
0x9e: {  	s24 =	sand.u32 $0x1FFFFFF0, s25  }
0x9f: {  	(v2sf) =	vpush v1, $0xF;
	s26 =	rddreg [dreg:$0x1c];
	s28 =	spop (v2sf);
	s24 =	sadd.s32 s3, s24  }
0xa0: {  	[tilespmem:s26], [sflag:$0x1] =	stream.linear.gather [hbm4b:s24+s2], $0x80, $0x38;
	[tilespmem:$0x1C80] =	vst v63  }
0xa1: {  	s24 =	sand.u32 $0x1FFFFFF0, s28  }
0xa2: {  	(v2sf) =	vpush v32, $0xF;
	s29 =	rddreg [dreg:$0x1d];
	s25 =	spop (v2sf);
	s24 =	sadd.s32 s4, s24  }
0xa3: {  	[tilespmem:s29], [sflag:$0x1] =	stream.linear.gather [hbm4b:s24+s2], $0x80, $0x38;
	[tilespmem:$0x1C80] =	vst v63  }
0xa4: {  	s24 =	sand.u32 $0x1FFFFFF0, s25  }
0xa5: {  	s26 =	rddreg [dreg:$0x1e];
	s28 =	spop (v2sf);
	s24 =	sadd.s32 s3, s24  }
0xa6: {  	[tilespmem:s26], [sflag:$0x1] =	stream.linear.gather [hbm4b:s24+s2], $0x80, $0x38;
	[tilespmem:$0x1C80] =	vst v63  }
0xa7: {  	s29 =	rddreg [dreg:$0x1f];
	s24 =	sand.u32 $0x1FFFFFF0, s28  }
0xa8: {  	s25 =	spop (v2sf);
	s26 =	sld [smem:$0x7FA];
	s24 =	sadd.s32 s4, s24  }
0xa9: {  	[tilespmem:s29], [sflag:$0x1] =	stream.linear.gather [hbm4b:s24+s2], $0x80, $0x38;
	[tilespmem:$0x1C80] =	vst v63  }
0xaa: {  	s24 =	sand.u32 $0x1FFFFFF0, s25  }
0xab: {  	s28 =	spop (v2sf);
	s29 =	sld [smem:$0x7FB];
	s24 =	sadd.s32 s3, s24  }
0xac: {  	[tilespmem:s26], [sflag:$0x1] =	stream.linear.gather [hbm4b:s24+s2], $0x80, $0x38;
	[tilespmem:$0x1C80] =	vst v63  }
0xad: {  	s24 =	sand.u32 $0x1FFFFFF0, s28  }
0xae: {  	s25 =	spop (v2sf);
	s26 =	sld [smem:$0x7FC];
	s24 =	sadd.s32 s4, s24  }
0xaf: {  	[tilespmem:s29], [sflag:$0x1] =	stream.linear.gather [hbm4b:s24+s2], $0x80, $0x38;
	[tilespmem:$0x1C80] =	vst v63  }
0xb0: {  	s24 =	sand.u32 $0x1FFFFFF0, s25  }
0xb1: {  	s28 =	spop (v2sf);
	s29 =	sld [smem:$0x7FD];
	s24 =	sadd.s32 s3, s24  }
0xb2: {  	[tilespmem:s26], [sflag:$0x1] =	stream.linear.gather [hbm4b:s24+s2], $0x80, $0x38;
	[tilespmem:$0x1C80] =	vst v63  }
0xb3: {  	s24 =	sand.u32 $0x1FFFFFF0, s28  }
0xb4: {  	s24 =	sadd.s32 s4, s24  }
0xb5: {  	[tilespmem:s29], [sflag:$0x1] =	stream.linear.gather [hbm4b:s24+s2], $0x80, $0x38;
	[tilespmem:$0x1C80] =	vst v63  }
0xb6: {  	v33 =	vld [tilespmem:s23+$0x1400]  }
0xb7: {  	v3 =	vld [tilespmem:s23+$0x1600]  }
0xb8: {  	v34 =	vld [tilespmem:s23+$0x1800]  }
0xb9: {  	v0 =	vld [tilespmem:s23+$0x1A00];
	_ =	swait.ge [sflag:s17], $0x80  }
0xba: {  	[sflag:s17] =	ssyncset.done $0x0  }
0xbb: {  	[sflag:s17] =	ssyncadd.s32 $0xFFFFFF80  }
0xbc: {  	_ =	swait.ge [sflag:s17], $0x80  }
0xbd: {  	[sflag:s17] =	ssyncset.done $0x0  }
0xbe: {  	[sflag:s17] =	ssyncadd.s32 $0xFFFFFF80  }
0xbf: {  	_ =	swait.ge [sflag:s17], $0x80  }
0xc0: {  	[sflag:s17] =	ssyncset.done $0x0  }
0xc1: {  	[sflag:s17] =	ssyncadd.s32 $0xFFFFFF80  }
0xc2: {  	_ =	swait.ge [sflag:s17], $0x80  }
0xc3: {  	[sflag:s17] =	ssyncset.done $0x0  }
0xc4: {  	[sflag:s17] =	ssyncadd.s32 $0xFFFFFF80  }
0xc5: {  	_ =	swait.ge [sflag:s17], $0x80  }
0xc6: {  	[sflag:s17] =	ssyncset.done $0x0  }
0xc7: {  	[sflag:s17] =	ssyncadd.s32 $0xFFFFFF80  }
0xc8: {  	_ =	swait.ge [sflag:s17], $0x80  }
0xc9: {  	[sflag:s17] =	ssyncset.done $0x0  }
0xca: {  	[sflag:s17] =	ssyncadd.s32 $0xFFFFFF80  }
0xcb: {  	_ =	swait.ge [sflag:s17], $0x80  }
0xcc: {  	[sflag:s17] =	ssyncset.done $0x0  }
0xcd: {  	[sflag:s17] =	ssyncadd.s32 $0xFFFFFF80  }
0xce: {  	_ =	swait.ge [sflag:s17], $0x80  }
0xcf: {  	[sflag:s17] =	ssyncset.done $0x0  }
0xd0: {  	[sflag:s17] =	ssyncadd.s32 $0xFFFFFF80  }
0xd1: {  	_ =	swait.ge [sflag:s17], $0x80  }
0xd2: {  	[sflag:s17] =	ssyncset.done $0x0  }
0xd3: {  	[sflag:s17] =	ssyncadd.s32 $0xFFFFFF80  }
0xd4: {  	_ =	swait.ge [sflag:s17], $0x80  }
0xd5: {  	[sflag:s17] =	ssyncset.done $0x0  }
0xd6: {  	[sflag:s17] =	ssyncadd.s32 $0xFFFFFF80  }
0xd7: {  	_ =	swait.ge [sflag:s17], $0x80  }
0xd8: {  	[sflag:s17] =	ssyncset.done $0x0  }
0xd9: {  	[sflag:s17] =	ssyncadd.s32 $0xFFFFFF80  }
0xda: {  	_ =	swait.ge [sflag:s17], $0x80  }
0xdb: {  	[sflag:s17] =	ssyncset.done $0x0  }
0xdc: {  	[sflag:s17] =	ssyncadd.s32 $0xFFFFFF80  }
0xdd: {  	_ =	swait.ge [sflag:s17], $0x80  }
0xde: {  	[sflag:s17] =	ssyncset.done $0x0  }
0xdf: {  	[sflag:s17] =	ssyncadd.s32 $0xFFFFFF80  }
0xe0: {  	_ =	swait.ge [sflag:s17], $0x80  }
0xe1: {  	[sflag:s17] =	ssyncset.done $0x0  }
0xe2: {  	[sflag:s17] =	ssyncadd.s32 $0xFFFFFF80  }
0xe3: {  	_ =	swait.ge [sflag:s17], $0x80  }
0xe4: {  	[sflag:s17] =	ssyncset.done $0x0  }
0xe5: {  	[sflag:s17] =	ssyncadd.s32 $0xFFFFFF80  }
0xe6: {  	_ =	swait.ge [sflag:s17], $0x80  }
0xe7: {  	[sflag:s17] =	ssyncset.done $0x0  }
0xe8: {  	[sflag:s17] =	ssyncadd.s32 $0xFFFFFF80  }
0xe9: {  	_ =	swait.ge [sflag:s17], $0x80  }
0xea: {  	[sflag:s17] =	ssyncset.done $0x0  }
0xeb: {  	[sflag:s17] =	ssyncadd.s32 $0xFFFFFF80  }
0xec: {  	_ =	swait.ge [sflag:s17], $0x80  }
0xed: {  	[sflag:s17] =	ssyncset.done $0x0  }
0xee: {  	[sflag:s17] =	ssyncadd.s32 $0xFFFFFF80  }
0xef: {  	_ =	swait.ge [sflag:s17], $0x80  }
0xf0: {  	[sflag:s17] =	ssyncset.done $0x0  }
0xf1: {  	[sflag:s17] =	ssyncadd.s32 $0xFFFFFF80  }
0xf2: {  	_ =	swait.ge [sflag:s17], $0x80  }
0xf3: {  	[sflag:s17] =	ssyncset.done $0x0  }
0xf4: {  	[sflag:s17] =	ssyncadd.s32 $0xFFFFFF80  }
0xf5: {  	_ =	swait.ge [sflag:s17], $0x80  }
0xf6: {  	[sflag:s17] =	ssyncset.done $0x0  }
0xf7: {  	[sflag:s17] =	ssyncadd.s32 $0xFFFFFF80  }
0xf8: {  	_ =	swait.ge [sflag:s17], $0x80  }
0xf9: {  	[sflag:s17] =	ssyncset.done $0x0  }
0xfa: {  	[sflag:s17] =	ssyncadd.s32 $0xFFFFFF80  }
0xfb: {  	_ =	swait.ge [sflag:s17], $0x80  }
0xfc: {  	[sflag:s17] =	ssyncset.done $0x0  }
0xfd: {  	[sflag:s17] =	ssyncadd.s32 $0xFFFFFF80  }
0xfe: {  	_ =	swait.ge [sflag:s17], $0x80  }
0xff: {  	[sflag:s17] =	ssyncset.done $0x0  }
0x100: {  	[sflag:s17] =	ssyncadd.s32 $0xFFFFFF80  }
0x101: {  	_ =	swait.ge [sflag:s17], $0x80  }
0x102: {  	[sflag:s17] =	ssyncset.done $0x0  }
0x103: {  	[sflag:s17] =	ssyncadd.s32 $0xFFFFFF80  }
0x104: {  	_ =	swait.ge [sflag:s17], $0x80  }
0x105: {  	[sflag:s17] =	ssyncset.done $0x0  }
0x106: {  	[sflag:s17] =	ssyncadd.s32 $0xFFFFFF80  }
0x107: {  	_ =	swait.ge [sflag:s17], $0x80  }
0x108: {  	[sflag:s17] =	ssyncset.done $0x0  }
0x109: {  	[sflag:s17] =	ssyncadd.s32 $0xFFFFFF80  }
0x10a: {  	_ =	swait.ge [sflag:s17], $0x80  }
0x10b: {  	[sflag:s17] =	ssyncset.done $0x0  }
0x10c: {  	[sflag:s17] =	ssyncadd.s32 $0xFFFFFF80  }
0x10d: {  	_ =	swait.ge [sflag:s17], $0x80  }
0x10e: {  	[sflag:s17] =	ssyncset.done $0x0  }
0x10f: {  	[sflag:s17] =	ssyncadd.s32 $0xFFFFFF80  }
0x110: {  	_ =	swait.ge [sflag:s17], $0x80  }
0x111: {  	[sflag:s17] =	ssyncset.done $0x0  }
0x112: {  	[sflag:s17] =	ssyncadd.s32 $0xFFFFFF80  }
0x113: {  	_ =	swait.ge [sflag:s17], $0x80  }
0x114: {  	[sflag:s17] =	ssyncset.done $0x0  }
0x115: {  	[sflag:s17] =	ssyncadd.s32 $0xFFFFFF80  }
0x116: {  	_ =	swait.ge [sflag:s17], $0x80  }
0x117: {  	[sflag:s17] =	ssyncset.done $0x0  }
0x118: {  	[sflag:s17] =	ssyncadd.s32 $0xFFFFFF80  }
0x119: {  	v4 =	vld [tilespmem:$0x0]  }
0x11a: {  	v5 =	vld [tilespmem:$0x10]  }
0x11b: {  	v6 =	vld [tilespmem:$0x800]  }
0x11c: {  	v7 =	vld [tilespmem:$0x810]  }
0x11d: {  	v8 =	vld [tilespmem:$0x80]  }
0x11e: {  	v9 =	vld [tilespmem:$0x90]  }
0x11f: {  	v10 =	vld [tilespmem:$0x880]  }
0x120: {  	v11 =	vld [tilespmem:$0x890]  }
0x121: {  	v12 =	vld [tilespmem:$0x100]  }
0x122: {  	v13 =	vld [tilespmem:$0x110]  }
0x123: {  	v14 =	vld [tilespmem:$0x900];
	v4 =	vmul.f32 v6, v4;
	v5 =	vmul.f32 v7, v5  }
0x124: {  	v15 =	vld [tilespmem:$0x910]  }
0x125: {  	v35 =	vld [tilespmem:$0x180];
	v4 =	vadd.f32 v5, v4  }
0x126: {  	v36 =	vld [tilespmem:$0x190]  }
0x127: {  	v37 =	vld [tilespmem:$0x980];
	(xrf2) =	vadd.scan.msk.f32 $0xffff, v4  }
0x128: {  	v16 =	vld [tilespmem:$0x990];
	v8 =	vmul.f32 v10, v8;
	v9 =	vmul.f32 v11, v9  }
0x129: {  	v38 =	vld [tilespmem:$0x200]  }
0x12a: {  	v39 =	vld [tilespmem:$0x210];
	v8 =	vadd.f32 v9, v8  }
0x12b: {  	v40 =	vld [tilespmem:$0xA00];
	v12 =	vmul.f32 v14, v12;
	v13 =	vmul.f32 v15, v13  }
0x12c: {  	v41 =	vld [tilespmem:$0xA10];
	(xrf2) =	vadd.scan.msk.f32 $0xffff, v8  }
0x12d: {  	v42 =	vld [tilespmem:$0x280];
	v12 =	vadd.f32 v13, v12  }
0x12e: {  	v43 =	vld [tilespmem:$0x290]  }
0x12f: {  	v2 =	vadd.f32 v3, v33;
	v44 =	vld [tilespmem:$0xA80];
	v47 =	vmul.f32 v16, v36;
	v5 =	vmul.f32 v37, v35;
	(xrf2) =	vadd.scan.msk.f32 $0xffff, v12  }
0x130: {  	v45 =	vld [tilespmem:$0xA90]  }
0x131: {  	v1 =	vsub.f32 v2, v34;
	v46 =	vld [tilespmem:$0x300];
	v51 =	vadd.f32 v47, v5;
	v49, _, _ =	vpop (xrf2)  }
0x132: {  	v48 =	vld [tilespmem:$0x310];
	(v2sf) =	vpush v49, $0xF  }
0x133: {  	v50 =	vld [tilespmem:$0xB00];
	v53 =	vmul.f32 v41, v39;
	v4 =	vmul.f32 v40, v38;
	(xrf2) =	vadd.scan.msk.f32 $0xffff, v51;
	(v2sf) =	vpush v1, $0x0  }
0x134: {  	v52 =	vld [tilespmem:$0xB10]  }
0x135: {  	v54 =	vld [tilespmem:$0x380];
	v4 =	vadd.f32 v53, v4;
	(v2sf) =	vpush v0, $0x0  }
0x136: {  	v55 =	vld [tilespmem:$0x390];
	v57, _, _ =	vpop (xrf2)  }
0x137: {  	v56 =	vld [tilespmem:$0xB80];
	v60 =	vmul.f32 v44, v42;
	v8 =	vmul.f32 v45, v43;
	(xrf2) =	vadd.scan.msk.f32 $0xffff, v4;
	(v2sf) =	vpush v57, $0xF  }
0x138: {  	v58 =	vld [tilespmem:$0xB90];
	(v2sf) =	vpush v1, $0x1  }
0x139: {  	v59 =	vld [tilespmem:$0x400];
	v8 =	vadd.f32 v8, v60;
	v62, _, _ =	vpop (xrf2);
	(v2sf) =	vpush v0, $0x1  }
0x13a: {  	v61 =	vld [tilespmem:$0x410];
	(v2sf) =	vpush v62, $0xF  }
0x13b: {  	v63 =	vld [tilespmem:$0xC00];
	v3 =	vmul.f32 v50, v46;
	v5 =	vmul.f32 v52, v48;
	(xrf2) =	vadd.scan.msk.f32 $0xffff, v8;
	(v2sf) =	vpush v1, $0x2  }
0x13c: {  	v17 =	vld [tilespmem:$0xC10]  }
0x13d: {  	v18 =	vld [tilespmem:$0x480];
	v3 =	vadd.f32 v5, v3;
	(v2sf) =	vpush v0, $0x2;
	v21, _, _ =	vpop (xrf2)  }
0x13e: {  	v19 =	vld [tilespmem:$0x490];
	(v2sf) =	vpush v21, $0xF  }
0x13f: {  	v20 =	vld [tilespmem:$0xC80];
	(xrf2) =	vadd.scan.msk.f32 $0xffff, v3;
	(v2sf) =	vpush v1, $0x3  }
0x140: {  	v22 =	vld [tilespmem:$0xC90];
	v6 =	vmul.f32 v56, v54;
	v2 =	vmul.f32 v58, v55  }
0x141: {  	v23 =	vld [tilespmem:$0x500];
	v25, _, _ =	vpop (xrf2);
	(v2sf) =	vpush v0, $0x3;
	s24 =	spop (v2sf)  }
0x142: {  	v24 =	vld [tilespmem:$0x510];
	v2 =	vadd.f32 v2, v6;
	(v2sf) =	vpush v25, $0xF;
	s25 =	spop (v2sf)  }
0x143: {  	v26 =	vld [tilespmem:$0xD00];
	v10 =	vmul.f32 v17, v61;
	v4 =	vmul.f32 v63, v59;
	s23 =	sadd.f32 s24, s25  }
0x144: {  	v27 =	vld [tilespmem:$0xD10];
	(xrf2) =	vadd.scan.msk.f32 $0xffff, v2;
	(v2sf) =	vpush v1, $0x4;
	s26 =	spop (v2sf)  }
0x145: {  	v28 =	vld [tilespmem:$0x580];
	v4 =	vadd.f32 v10, v4;
	v31, _, _ =	vpop (xrf2);
	(v2sf) =	vpush v0, $0x4;
	s24 =	smul.f32 s23, s26  }
0x146: {  	v29 =	vld [tilespmem:$0x590];
	s28 =	spop (v2sf);
	(v2sf) =	vpush v31, $0xF  }
0x147: {  	v30 =	vld [tilespmem:$0xD80];
	v34 =	vmul.f32 v22, v19;
	v5 =	vmul.f32 v20, v18;
	(xrf2) =	vadd.scan.msk.f32 $0xffff, v4;
	s29 =	spop (v2sf);
	(v2sf) =	vpush v1, $0x5;
	s23 =	smul.f32 s24, s23  }
0x148: {  	v32 =	vld [tilespmem:$0xD90];
	s26 =	spop (v2sf);
	s24 =	sadd.f32 s28, s29  }
0x149: {  	v33 =	vld [tilespmem:$0x600];
	v5 =	vadd.f32 v34, v5;
	v36, _, _ =	vpop (xrf2);
	(v2sf) =	vpush v0, $0x5;
	s28 =	spop (v2sf);
	s22 =	sadd.f32 s23, s22  }
0x14a: {  	v39 =	vld [tilespmem:$0x680];
	(v2sf) =	vpush v36, $0xF;
	s25 =	smul.f32 s24, s26;
	s26 =	spop (v2sf)  }
0x14b: {  	v41 =	vld [tilespmem:$0xE80];
	v6 =	vmul.f32 v27, v24;
	v3 =	vmul.f32 v26, v23;
	(xrf2) =	vadd.scan.msk.f32 $0xffff, v5;
	(v2sf) =	vpush v1, $0x6;
	s23 =	sadd.f32 s28, s26  }
0x14c: {  	v35 =	vld [tilespmem:$0x610];
	s29 =	spop (v2sf);
	s24 =	smul.f32 s25, s24  }
0x14d: {  	v37 =	vld [tilespmem:$0xE00];
	v3 =	vadd.f32 v6, v3;
	(v2sf) =	vpush v0, $0x6;
	s26 =	spop (v2sf);
	s25 =	smul.f32 s23, s29  }
0x14e: {  	v38 =	vld [tilespmem:$0xE10];
	v42, _, _ =	vpop (xrf2);
	s28 =	spop (v2sf);
	s22 =	sadd.f32 s24, s22  }
0x14f: {  	v44 =	vld [tilespmem:$0x700];
	v10 =	vmul.f32 v30, v28;
	v2 =	vmul.f32 v32, v29;
	(xrf2) =	vadd.scan.msk.f32 $0xffff, v3;
	(v2sf) =	vpush v42, $0xF;
	s24 =	sadd.f32 s26, s28  }
0x150: {  	v40 =	vld [tilespmem:$0x690];
	s29 =	spop (v2sf);
	(v2sf) =	vpush v1, $0x7;
	s23 =	smul.f32 s25, s23  }
0x151: {  	v43 =	vld [tilespmem:$0xE90];
	v2 =	vadd.f32 v2, v10;
	v46, _, _ =	vpop (xrf2);
	s25 =	smul.f32 s24, s29;
	s26 =	spop (v2sf);
	(v2sf) =	vpush v0, $0x7  }
0x152: {  	v50 =	vld [tilespmem:$0x790];
	s22 =	sadd.f32 s23, s22;
	(v2sf) =	vpush v46, $0xF  }
0x153: {  	v47 =	vld [tilespmem:$0xF00];
	v7 =	vmul.f32 v38, v35;
	v4 =	vmul.f32 v37, v33;
	(xrf2) =	vadd.scan.msk.f32 $0xffff, v2;
	s28 =	spop (v2sf);
	s24 =	smul.f32 s25, s24;
	(v2sf) =	vpush v1, $0x8  }
0x154: {  	v48 =	vld [tilespmem:$0xF10];
	s23 =	sadd.f32 s26, s28;
	s29 =	spop (v2sf)  }
0x155: {  	v45 =	vld [tilespmem:$0x710];
	v4 =	vadd.f32 v7, v4;
	v53, _, _ =	vpop (xrf2);
	(v2sf) =	vpush v0, $0x8;
	s22 =	sadd.f32 s24, s22;
	s26 =	spop (v2sf)  }
0x156: {  	v54 =	vld [tilespmem:$0xF90];
	v51 =	vmul.f32 v41, v39;
	v5 =	vmul.f32 v43, v40;
	s25 =	smul.f32 s23, s29;
	(v2sf) =	vpush v53, $0xF;
	s28 =	spop (v2sf)  }
0x157: {  	v52 =	vld [tilespmem:$0xF80];
	(xrf2) =	vadd.scan.msk.f32 $0xffff, v4;
	s24 =	sadd.f32 s26, s28;
	(v2sf) =	vpush v1, $0x9  }
0x158: {  	v49 =	vld [tilespmem:$0x780];
	v4 =	vadd.f32 v5, v51;
	s29 =	spop (v2sf);
	s23 =	smul.f32 s25, s23  }
0x159: {  	v55, _, _ =	vpop (xrf2);
	s26 =	spop (v2sf);
	(v2sf) =	vpush v0, $0x9;
	s25 =	smul.f32 s24, s29  }
0x15a: {  	v3 =	vmul.f32 v47, v44;
	v2 =	vmul.f32 v48, v45;
	(xrf2) =	vadd.scan.msk.f32 $0xffff, v4;
	(v2sf) =	vpush v55, $0xF;
	s22 =	sadd.f32 s23, s22;
	s28 =	spop (v2sf)  }
0x15b: {  	(v2sf) =	vpush v1, $0xA;
	s23 =	sadd.f32 s26, s28  }
0x15c: {  	v2 =	vadd.f32 v2, v3;
	s24 =	smul.f32 s25, s24;
	s29 =	spop (v2sf)  }
0x15d: {  	v57 =	vmul.f32 v54, v50;
	v56 =	vmul.f32 v52, v49;
	v58, _, _ =	vpop (xrf2);
	(v2sf) =	vpush v0, $0xA;
	s25 =	smul.f32 s23, s29  }
0x15e: {  	(xrf2) =	vadd.scan.msk.f32 $0xffff, v2;
	(v2sf) =	vpush v58, $0xF;
	s26 =	spop (v2sf);
	s22 =	sadd.f32 s24, s22  }
0x15f: {  	v59 =	vadd.f32 v57, v56;
	(v2sf) =	vpush v1, $0xB;
	s28 =	spop (v2sf);
	s23 =	smul.f32 s25, s23  }
0x160: {  	(v2sf) =	vpush v0, $0xB;
	s24 =	sadd.f32 s26, s28;
	s29 =	spop (v2sf)  }
0x161: {  	(xrf2) =	vadd.scan.msk.f32 $0xffff, v59;
	v60, _, _ =	vpop (xrf2);
	s22 =	sadd.f32 s23, s22;
	s26 =	spop (v2sf)  }
0x162: {  	(v2sf) =	vpush v60, $0xF;
	s25 =	smul.f32 s24, s29;
	s28 =	spop (v2sf)  }
0x163: {  	(v2sf) =	vpush v1, $0xC;
	s23 =	sadd.f32 s26, s28  }
0x164: {  	v61, _, _ =	vpop (xrf2);
	(v2sf) =	vpush v0, $0xC;
	s24 =	smul.f32 s25, s24;
	s29 =	spop (v2sf)  }
0x165: {  	(v2sf) =	vpush v61, $0xF;
	s26 =	spop (v2sf);
	s25 =	smul.f32 s23, s29  }
0x166: {  	(v2sf) =	vpush v1, $0xD;
	s22 =	sadd.f32 s24, s22;
	s28 =	spop (v2sf)  }
0x167: {  	s24 =	sadd.f32 s26, s28  }
0x168: {  	v62, _, _ =	vpop (xrf2);
	(v2sf) =	vpush v0, $0xD;
	s29 =	spop (v2sf);
	s23 =	smul.f32 s25, s23  }
0x169: {  	(v2sf) =	vpush v62, $0xF;
	s26 =	spop (v2sf);
	s25 =	smul.f32 s24, s29  }
0x16a: {  	(v2sf) =	vpush v1, $0xE;
	s29 =	spop (v2sf);
	s22 =	sadd.f32 s23, s22  }
0x16b: {  	v63, _, _ =	vpop (xrf2);
	(v2sf) =	vpush v0, $0xE;
	s23 =	sadd.f32 s26, s29  }
0x16c: {  	(v2sf) =	vpush v63, $0xF;
	s28 =	spop (v2sf);
	s24 =	smul.f32 s25, s24  }
0x16d: {  	s25 =	spop (v2sf);
	(v2sf) =	vpush v1, $0xF;
	s28 =	smul.f32 s23, s28  }
0x16e: {  	s26 =	spop (v2sf);
	s22 =	sadd.f32 s24, s22  }
0x16f: {  	s24 =	spop (v2sf);
	(v2sf) =	vpush v0, $0xF;
	s23 =	smul.f32 s28, s23  }
0x170: {  	s25 =	sadd.f32 s25, s26  }
0x171: {  	s29 =	spop (v2sf);
	s22 =	sadd.f32 s23, s22  }
0x172: {  	s23 =	smul.f32 s25, s24;
	s28 =	spop (v2sf)  }
0x173: {  	s26 =	spop (v2sf);
	s28 =	sadd.f32 s29, s28  }
0x174: {  	s23 =	smul.f32 s23, s25;
	s24 =	spop (v2sf)  }
0x175: {  	s29 =	spop (v2sf)  }
0x176: {  	s26 =	smul.f32 s28, s26;
	s22 =	sadd.f32 s23, s22  }
0x177: {  	s25 =	spop (v2sf);
	s24 =	sadd.f32 s24, s29  }
0x178: {  	s23 =	spop (v2sf);
	s26 =	smul.f32 s26, s28  }
0x179: {  	s28 =	spop (v2sf);
	s25 =	smul.f32 s24, s25  }
0x17a: {  	s29 =	spop (v2sf);
	s23 =	sadd.f32 s23, s28  }
0x17b: {  	s22 =	sadd.f32 s26, s22;
	s28 =	spop (v2sf)  }
0x17c: {  	s26 =	spop (v2sf);
	s29 =	smul.f32 s23, s29  }
0x17d: {  	s24 =	smul.f32 s25, s24;
	s25 =	sadd.f32 s28, s26  }
0x17e: {  	s23 =	smul.f32 s29, s23;
	s29 =	spop (v2sf)  }
0x17f: {  	p0 =	sne.s32 s21, $0x7C0;
	s28 =	smul.f32 s25, s29  }
.Ltmp0:
0x180: {  	s22 =	sadd.f32 s24, s22;
	(pc) =	sbr.rel @p0 .LBB2_2-.Ltmp0, $4  }
0x181: {  	_ = 	snop  }
0x182: {  	s22 =	sadd.f32 s23, s22;
	s29 =	smul.f32 s28, s25  }
0x183: {  	_ = 	snop  }
0x184: {  	s21 =	sadd.s32 $0x40, s21;
	s22 =	sadd.f32 s29, s22  }
0x185: {  	_ =	swait.ge [sflag:s18], $0x80  }
0x186: {  	[sflag:s18] =	ssyncset.done $0x0  }
0x187: {  	[sflag:s18] =	ssyncadd.s32 $0xFFFFFF80  }
0x188: {  	_ =	swait.ge [sflag:s18], $0x80  }
0x189: {  	[sflag:s18] =	ssyncset.done $0x0  }
0x18a: {  	[sflag:s18] =	ssyncadd.s32 $0xFFFFFF80  }
0x18b: {  	_ =	swait.ge [sflag:s18], $0x80  }
0x18c: {  	[sflag:s18] =	ssyncset.done $0x0  }
0x18d: {  	[sflag:s18] =	ssyncadd.s32 $0xFFFFFF80  }
0x18e: {  	_ =	swait.ge [sflag:s18], $0x80  }
0x18f: {  	[sflag:s18] =	ssyncset.done $0x0  }
0x190: {  	[sflag:s18] =	ssyncadd.s32 $0xFFFFFF80  }
0x191: {  	_ =	swait.ge [sflag:s18], $0x80  }
0x192: {  	[sflag:s18] =	ssyncset.done $0x0  }
0x193: {  	[sflag:s18] =	ssyncadd.s32 $0xFFFFFF80  }
0x194: {  	_ =	swait.ge [sflag:s18], $0x80  }
0x195: {  	[sflag:s18] =	ssyncset.done $0x0  }
0x196: {  	[sflag:s18] =	ssyncadd.s32 $0xFFFFFF80  }
0x197: {  	_ =	swait.ge [sflag:s18], $0x80  }
0x198: {  	v0 =	vmov s22;
	[sflag:s18] =	ssyncset.done $0x0  }
0x199: {  	v0 =	vadd.f32 $0.0e+00, v0;
	[sflag:s18] =	ssyncadd.s32 $0xFFFFFF80  }
0x19a: {  	_ =	swait.ge [sflag:s18], $0x80  }
0x19b: {  	s20 =	sadd.s32 $0x1, s20;
	v0 =	vbroadcast v0, $0x0;
	[sflag:s18] =	ssyncset.done $0x0  }
0x19c: {  	p0 =	sne.s32 s20, s12;
	[sflag:s18] =	ssyncadd.s32 $0xFFFFFF80  }
.Ltmp1:
0x19d: {  	[tilespmem:$0x1C00] =	vst v0;
	(pc) =	sbr.rel @p0 .LBB2_1-.Ltmp1, $4  }
0x19e: {  	[hbm4b:s11+s2] =	stream.linear.scatter [tilespmem:s19], [sflag:$0x3], $0x10, $0x38;
	[tilespmem:$0x1C80] =	vst v63  }
0x19f: {  	_ =	swait.ge [sflag:s14], $0x10  }
0x1a0: {  	[sflag:s14] =	ssyncset.done $0x0  }
0x1a1: {  	[sflag:s14] =	ssyncadd.s32 $0xFFFFFFF0  }
0x1a2: {  	_ =	sfence.sel $0x180000  }
0x1a3: {  	[bflag:$0x0] =	sbarrier.arrive $0xFFFF  }
0x1a4: {  	_ =	strace $0x90000047  }
0x1a5: {  	s0 =	stileid.u32;
	[bflag:$0x2] =	sbarrier.arrive $0xFFFF  }
0x1a6: {  	p0 =	sne.s32 s0, $0x0;
	s0 =	rddreg [dreg:$0x5]  }
0x1a7: {  	s0 =	sadd.s32 @!p0 $0x100000, s0  }
0x1a8: {  	[sflag:s0] =	ssyncadd.tile.s32 @!p0 $0x1;
	_ =	shalt  }
.Lfunc_end2:
_tile_overlayer_lowered:
.L_overlay_start_2:
0x1a9: {  	(tag) =	ssettag $0x2  }
0x1aa: {  	s0 =	rddreg [dreg:$0x0];
	s2 =	stileid.u32  }
0x1ab: {  	s1 =	rddreg [dreg:$0x1];
	p0 =	sne.s32 s2, $0x0  }
0x1ac: {  	s3 =	rddreg [dreg:$0x2];
	[bflag:$0x3] =	sbarrier.arrive $0xFFFF;
	s2 =	simm.s32 @!p0 $0x1C03  }
0x1ad: {  	[timem:s3], [sflag:s2] =	dma.local @!p0 [hbm:s0], s1  }
0x1ae: {  	s0 =	simm.s32 @!p0 $0x3  }
0x1af: {  	_ =	swait.ge @!p0 [sflag:s0], s1  }
0x1b0: {  	s1 =	ssub.s32 @!p0 $0x0, s1;
	[sflag:s0] =	ssyncset.done @!p0 $0x0  }
0x1b1: {  	[sflag:s0] =	ssyncadd.s32 @!p0 s1  }
0x1b2: {  	[bflag:$0x3] =	sbarrier.arrive $0xFFFF  }
0x1b3: {  	_ =	shalt  }

</sc_bundles>
